<compile_context>
chip_gen: v7x
topology: tpu7x:2x2x1
jax: 0.10.2.dev20260603
libtpu: 0.0.44.dev20260713+nightly
codegen_flags: <defaults>
</compile_context>

<pallas_src>
import functools
import math

import jax
import jax.numpy as jnp
import numpy as np
from jax import lax
from jax.experimental import pallas as pl
from jax.experimental.pallas import tpu as pltpu
from jax.experimental.pallas import tpu_sc as plsc

N = 10000
E = 320000
C = 128
M = 64

NPAD = 10112
GSZ = 80
A0 = 126
A1 = 124
E0PT = A0 * GSZ
E1PT = A1 * GSZ
CORE1_BASE = 16 * E0PT
DW = 16
ROWS_PER_TILE = NPAD // 16


def _sc_segment_sum(h, src_e, dst_e):
    mesh = plsc.VectorSubcoreMesh(core_axis_name="c", subcore_axis_name="s")

    @functools.partial(
        pl.kernel,
        mesh=mesh,
        compiler_params=pltpu.CompilerParams(needs_layout_passes=False),
        out_type=[
            jax.ShapeDtypeStruct((2, NPAD, C), jnp.float32),
            jax.ShapeDtypeStruct((2, 16, NPAD), jnp.float32),
        ],
        scratch_types=[
            pltpu.VMEM((2, GSZ), jnp.int32),
            pltpu.VMEM((2, GSZ), jnp.int32),
            pltpu.VMEM((GSZ, C), jnp.float32),
            pltpu.VMEM((GSZ, C), jnp.float32),
            pltpu.VMEM((NPAD,), jnp.float32),
            pltpu.VMEM_SHARED((NPAD, C), jnp.float32),
            pltpu.SemaphoreType.DMA,
            pltpu.SemaphoreType.DMA,
        ],
    )
    def k(h_hbm, src_hbm, dst_hbm, agg_out, deg_out,
          sa, da, rows_a, rows_b, deg_v, agg_sh, sem_a, sem_b):
        c = lax.axis_index("c")
        s = lax.axis_index("s")

        zeros16 = jnp.zeros((16,), jnp.float32)
        ones16 = jnp.ones((16,), jnp.float32)

        def zero_deg(i):
            deg_v[pl.ds(i * 16, 16)] = zeros16
        pl.loop(0, NPAD // 16)(zero_deg)

        def zero_rows(i):
            for kk in range(C // 16):
                rows_a[i, pl.ds(kk * 16, 16)] = zeros16
        pl.loop(0, GSZ)(zero_rows)
        for b in range(ROWS_PER_TILE // GSZ):
            pltpu.sync_copy(rows_a, agg_sh.at[pl.ds(s * ROWS_PER_TILE + b * GSZ, GSZ)])
        rem = ROWS_PER_TILE % GSZ
        if rem:
            pltpu.sync_copy(
                rows_a.at[pl.ds(0, rem)],
                agg_sh.at[pl.ds(s * ROWS_PER_TILE + (ROWS_PER_TILE // GSZ) * GSZ, rem)])
        plsc.subcore_barrier()

        def load_idx(e0, k):
            pltpu.sync_copy(src_hbm.at[pl.ds(e0, GSZ)], sa.at[k])
            pltpu.sync_copy(dst_hbm.at[pl.ds(e0, GSZ)], da.at[k])

        def commit(rows, k):
            pltpu.sync_copy(rows, agg_sh.at[da.at[k]], add=True)
            for kk in range(GSZ // 16):
                idx = da[k, pl.ds(kk * 16, 16)]
                plsc.addupdate_scatter(deg_v, [idx], ones16)

        def pipeline(gc, ebase):
            load_idx(ebase, 0)
            pltpu.async_copy(h_hbm.at[sa.at[0]], rows_a, sem_a)

            def body(jj):
                j = jj * 2
                load_idx(ebase + (j + 1) * GSZ, 1)
                pltpu.async_copy(h_hbm.at[sa.at[1]], rows_b, sem_b)
                pltpu.make_async_copy(h_hbm.at[sa.at[0]], rows_a, sem_a).wait()
                commit(rows_a, 0)

                @pl.when(j + 2 < gc)
                def _():
                    load_idx(ebase + (j + 2) * GSZ, 0)
                    pltpu.async_copy(h_hbm.at[sa.at[0]], rows_a, sem_a)
                pltpu.make_async_copy(h_hbm.at[sa.at[1]], rows_b, sem_b).wait()
                commit(rows_b, 1)
            pl.loop(0, gc // 2)(body)

        @pl.when(c == 0)
        def _():
            pipeline(A0, s * E0PT)

        @pl.when(c != 0)
        def _():
            pipeline(A1, CORE1_BASE + s * E1PT)

        plsc.subcore_barrier()

        pltpu.sync_copy(agg_sh.at[pl.ds(s * ROWS_PER_TILE, ROWS_PER_TILE)],
                        agg_out.at[c, pl.ds(s * ROWS_PER_TILE, ROWS_PER_TILE)])
        pltpu.sync_copy(deg_v, deg_out.at[c, s])

    return k(h, src_e, dst_e)


_BLK = 400
_NBLK = N // _BLK


def _tc1_body(u_ref, h_ref, w_ref, out_ref, acc_ref):
    j = pl.program_id(0)

    @pl.when(j == 0)
    def _():
        acc_ref[...] = jnp.zeros_like(acc_ref)

    acc_ref[...] += lax.dot_general(
        u_ref[...], h_ref[...], (((0,), (0,)), ((), ())),
        preferred_element_type=jnp.float32)

    @pl.when(j == _NBLK - 1)
    def _():
        h_hat = acc_ref[...]
        out_ref[...] = jnp.sum(h_hat[:, :, None] * w_ref[...], axis=1)


def _tc1(U0, h, W_spec):
    return pl.pallas_call(
        _tc1_body,
        grid=(_NBLK,),
        in_specs=[
            pl.BlockSpec((_BLK, M), lambda j: (j, 0)),
            pl.BlockSpec((_BLK, C), lambda j: (j, 0)),
            pl.BlockSpec((M, C, C), lambda j: (0, 0, 0)),
        ],
        out_specs=pl.BlockSpec((M, C), lambda j: (0, 0)),
        out_shape=jax.ShapeDtypeStruct((M, C), jnp.float32),
        scratch_shapes=[pltpu.VMEM((M, C), jnp.float32)],
    )(U0, h, W_spec)


def _tc2_body(h_ref, u_ref, oh_ref, agg_ref, deg_ref, lw_ref, lb_ref,
              g_ref, b_ref, out_ref):
    agg = agg_ref[0] + agg_ref[1]
    deg = jnp.sum(deg_ref[...], axis=1)
    rdeg = 1.0 / jnp.maximum(deg, 1.0)
    ag = agg * rdeg[:, None]
    local = lax.dot_general(ag, lw_ref[...], (((1,), (1,)), ((), ())),
                            preferred_element_type=jnp.float32) + lb_ref[...]
    spec = jnp.dot(u_ref[...], oh_ref[...],
                   preferred_element_type=jnp.float32)
    x = h_ref[...] + spec + local
    mu = jnp.mean(x, axis=1, keepdims=True)
    xc = x - mu
    var = jnp.mean(xc * xc, axis=1, keepdims=True)
    xn = xc * lax.rsqrt(var + 1e-5) * g_ref[...] + b_ref[...]
    out_ref[...] = 0.5 * xn * (1.0 + lax.erf(xn * (1.0 / math.sqrt(2.0))))


def _tc2(h, U0, out_hat, agg_part, deg_part, lin_W, lin_b, ln_g, ln_b):
    return pl.pallas_call(
        _tc2_body,
        grid=(_NBLK,),
        in_specs=[
            pl.BlockSpec((_BLK, C), lambda j: (j, 0)),
            pl.BlockSpec((_BLK, M), lambda j: (j, 0)),
            pl.BlockSpec((M, C), lambda j: (0, 0)),
            pl.BlockSpec((2, _BLK, C), lambda j: (0, j, 0)),
            pl.BlockSpec((_BLK, 32), lambda j: (j, 0)),
            pl.BlockSpec((C, C), lambda j: (0, 0)),
            pl.BlockSpec((1, C), lambda j: (0, 0)),
            pl.BlockSpec((1, C), lambda j: (0, 0)),
            pl.BlockSpec((1, C), lambda j: (0, 0)),
        ],
        out_specs=pl.BlockSpec((_BLK, C), lambda j: (j, 0)),
        out_shape=jax.ShapeDtypeStruct((N, C), jnp.float32),
    )(h, U0, out_hat, agg_part, deg_part, lin_W, lin_b, ln_g, ln_b)


def kernel(h, edge_index, U0, ptr, W_spec, lin_W, lin_b, ln_g, ln_b):
    del ptr
    agg_part, deg_part = _sc_segment_sum(h, edge_index[0], edge_index[1])
    deg_part = deg_part.reshape(32, NPAD)[:, :N].T

    out_hat = _tc1(U0, h, W_spec)
    return _tc2(h, U0, out_hat, agg_part, deg_part,
                lin_W, lin_b.reshape(1, C), ln_g.reshape(1, C),
                ln_b.reshape(1, C))

# --- scband reference (transcript-rebuilt; emitter-appended) ---
"""Pipeline reference for scband-gfnoblock-6107443494944 (READ-ONLY COPY).

The authoritative reference and input builder live on the scoring server;
editing this copy changes nothing except your own understanding.
"""

import jax, jax.numpy as jnp
import numpy as np

N = 10000
E = 320000
C = 128
M = 64


def setup_inputs(seed: int = 0) -> dict:
    key = jax.random.key(seed)
    k1, k2, k3, k4, k5, k6 = jax.random.split(key, 6)
    h = jax.random.normal(k1, (N, C), dtype=jnp.float32)
    edge_index = jax.random.randint(k2, (2, E), 0, N, dtype=jnp.int32)
    U0 = jax.random.normal(k3, (N, M), dtype=jnp.float32) * 0.01
    ptr = jnp.array([0, N], dtype=jnp.int32)
    W_spec = jax.random.normal(k4, (M, C, C), dtype=jnp.float32) * 0.02
    lin_W = jax.random.normal(k5, (C, C), dtype=jnp.float32) * (1.0 / np.sqrt(C))
    lin_b = jax.random.normal(k6, (C,), dtype=jnp.float32) * 0.01
    ln_g = jnp.ones((C,), dtype=jnp.float32)
    ln_b = jnp.zeros((C,), dtype=jnp.float32)
    return {"h": h, "edge_index": edge_index, "U0": U0, "ptr": ptr,
            "W_spec": W_spec, "lin_W": lin_W, "lin_b": lin_b,
            "ln_g": ln_g, "ln_b": ln_b}


def reference(h, edge_index, U0, ptr, W_spec, lin_W, lin_b, ln_g, ln_b):
    # GraphSpectralConv.forward with B=1 graph covering all nodes (ptr=[0, N])
    m = min(U0.shape[1], W_spec.shape[0])
    U = U0[:, :m]
    W = W_spec[:m]
    h_hat = U.T @ h                                  # [m, C]
    out_hat = jnp.einsum('mc,mco->mo', h_hat, W)     # [m, C]
    spec = U @ out_hat                               # [N, C]
    # LocalMeanAgg: gather on src, scatter-add on dst, degree-normalize, linear
    src = edge_index[0]
    dst = edge_index[1]
    n = h.shape[0]
    agg = jax.ops.segment_sum(h[src], dst, num_segments=n)
    deg = jax.ops.segment_sum(jnp.ones((dst.shape[0],), dtype=h.dtype), dst, num_segments=n)
    deg = jnp.clip(deg, 1.0, None)[:, None]
    local = (agg / deg) @ lin_W.T + lin_b
    # residual + LayerNorm + GELU (torch F.gelu is exact erf form)
    x = h + spec + local
    mu = jnp.mean(x, axis=-1, keepdims=True)
    var = jnp.var(x, axis=-1, keepdims=True)
    xn = (x - mu) / jnp.sqrt(var + 1e-5) * ln_g + ln_b
    return jax.nn.gelu(xn, approximate=False)

if __name__ == "__main__":
    import jax
    _d = setup_inputs()
    print(jax.jit(kernel)(*tuple(_d.values())))

</pallas_src>

<mosaic_0001>
#map = affine_map<(d0, d1) -> (0, 0)>
#map1 = affine_map<(d0, d1) -> (0)>
#map2 = affine_map<(d0, d1) -> (0, 0, 0)>
module attributes {stable_mosaic.version = 14 : i64} {
  func.func @k(%arg0: i32, %arg1: i32, %arg2: memref<10000x128xf32, #tpu.memory_space<hbm>>, %arg3: memref<320000xi32, #tpu.memory_space<hbm>>, %arg4: memref<320000xi32, #tpu.memory_space<hbm>>, %arg5: memref<2x10112x128xf32, #tpu.memory_space<hbm>>, %arg6: memref<2x16x10112xf32, #tpu.memory_space<hbm>>, %arg7: memref<2x80xi32, #tpu.memory_space<vmem>>, %arg8: memref<2x80xi32, #tpu.memory_space<vmem>>, %arg9: memref<80x128xf32, #tpu.memory_space<vmem>>, %arg10: memref<80x128xf32, #tpu.memory_space<vmem>>, %arg11: memref<10112xf32, #tpu.memory_space<vmem>>, %arg12: memref<10112x128xf32, #tpu.memory_space<vmem_shared>>, %arg13: memref<!tpu.dma_semaphore, #tpu.memory_space<semaphore_mem>>, %arg14: memref<!tpu.dma_semaphore, #tpu.memory_space<semaphore_mem>>) attributes {dimension_semantics = [#tpu.dimension_semantics<core_parallel>, #tpu.dimension_semantics<subcore_parallel>], iteration_bounds = array<i64: 2, 16>, scalar_prefetch = 0 : i64, scratch_operands = 8 : i64, tpu.core_type = #tpu.core_type<sc_vector_subcore>, window_params = [{transform_indices = #map}, {transform_indices = #map1}, {transform_indices = #map1}, {transform_indices = #map2}, {transform_indices = #map2}]} {
    %broadcast_in_dim3A = arith.constant 0.000000e+00 : f32
    %broadcast_in_dim3A_0 = vector.broadcast %broadcast_in_dim3A : f32 to vector<16xf32>
    %broadcast_in_dim3A_1 = arith.constant 1.000000e+00 : f32
    %broadcast_in_dim3A_2 = vector.broadcast %broadcast_in_dim3A_1 : f32 to vector<16xf32>
    %scan3A = arith.constant 0 : i32
    %scan3A_3 = arith.constant 632 : i32
    %scan3A_4 = arith.addi %scan3A, %scan3A_3 : i32
    %scan3A_5 = arith.constant 1 : i32
    scf.for %scan3A_53 = %scan3A to %scan3A_4 step %scan3A_5  : i32 {
      %mul3A_54 = arith.constant 1 : i32
      %mul3A_55 = arith.muli %scan3A_53, %mul3A_54 : i32
      %add3A_56 = arith.constant 0 : i32
      %add3A_57 = arith.addi %add3A_56, %mul3A_55 : i32
      %mul3A_58 = arith.constant 16 : i32
      %mul3A_59 = arith.muli %add3A_57, %mul3A_58 : i32
      %swap3A = arith.index_cast %mul3A_59 : i32 to index
      %swap3A_60 = tpu.vector_load %arg11[%swap3A] {strides = array<i32>} : memref<10112xf32, #tpu.memory_space<vmem>>, vector<16xf32>,
      tpu.vector_store %arg11[%swap3A], %broadcast_in_dim3A_0 {strides = array<i32>} : memref<10112xf32, #tpu.memory_space<vmem>>, vector<16xf32>,
    }
    %scan3A_6 = arith.constant 632 : i32
    %scan3A_7 = arith.constant 0 : i32
    %scan3A_8 = arith.constant 80 : i32
    %scan3A_9 = arith.addi %scan3A_7, %scan3A_8 : i32
    %scan3A_10 = arith.constant 1 : i32
    scf.for %scan3A_53 = %scan3A_7 to %scan3A_9 step %scan3A_10  : i32 {
      %mul3A_54 = arith.constant 1 : i32
      %mul3A_55 = arith.muli %scan3A_53, %mul3A_54 : i32
      %add3A_56 = arith.constant 0 : i32
      %add3A_57 = arith.addi %add3A_56, %mul3A_55 : i32
      %swap3A = arith.index_cast %add3A_57 : i32 to index
      %swap3A_58 = arith.constant 0 : index
      %swap3A_59 = tpu.vector_load %arg9[%swap3A, %swap3A_58] {strides = array<i32>} : memref<80x128xf32, #tpu.memory_space<vmem>>, vector<16xf32>,
      tpu.vector_store %arg9[%swap3A, %swap3A_58], %broadcast_in_dim3A_0 {strides = array<i32>} : memref<80x128xf32, #tpu.memory_space<vmem>>, vector<16xf32>,
      %swap3A_60 = arith.index_cast %add3A_57 : i32 to index
      %swap3A_61 = arith.constant 16 : index
      %swap3A_62 = tpu.vector_load %arg9[%swap3A_60, %swap3A_61] {strides = array<i32>} : memref<80x128xf32, #tpu.memory_space<vmem>>, vector<16xf32>,
      tpu.vector_store %arg9[%swap3A_60, %swap3A_61], %broadcast_in_dim3A_0 {strides = array<i32>} : memref<80x128xf32, #tpu.memory_space<vmem>>, vector<16xf32>,
      %swap3A_63 = arith.index_cast %add3A_57 : i32 to index
      %swap3A_64 = arith.constant 32 : index
      %swap3A_65 = tpu.vector_load %arg9[%swap3A_63, %swap3A_64] {strides = array<i32>} : memref<80x128xf32, #tpu.memory_space<vmem>>, vector<16xf32>,
      tpu.vector_store %arg9[%swap3A_63, %swap3A_64], %broadcast_in_dim3A_0 {strides = array<i32>} : memref<80x128xf32, #tpu.memory_space<vmem>>, vector<16xf32>,
      %swap3A_66 = arith.index_cast %add3A_57 : i32 to index
      %swap3A_67 = arith.constant 48 : index
      %swap3A_68 = tpu.vector_load %arg9[%swap3A_66, %swap3A_67] {strides = array<i32>} : memref<80x128xf32, #tpu.memory_space<vmem>>, vector<16xf32>,
      tpu.vector_store %arg9[%swap3A_66, %swap3A_67], %broadcast_in_dim3A_0 {strides = array<i32>} : memref<80x128xf32, #tpu.memory_space<vmem>>, vector<16xf32>,
      %swap3A_69 = arith.index_cast %add3A_57 : i32 to index
      %swap3A_70 = arith.constant 64 : index
      %swap3A_71 = tpu.vector_load %arg9[%swap3A_69, %swap3A_70] {strides = array<i32>} : memref<80x128xf32, #tpu.memory_space<vmem>>, vector<16xf32>,
      tpu.vector_store %arg9[%swap3A_69, %swap3A_70], %broadcast_in_dim3A_0 {strides = array<i32>} : memref<80x128xf32, #tpu.memory_space<vmem>>, vector<16xf32>,
      %swap3A_72 = arith.index_cast %add3A_57 : i32 to index
      %swap3A_73 = arith.constant 80 : index
      %swap3A_74 = tpu.vector_load %arg9[%swap3A_72, %swap3A_73] {strides = array<i32>} : memref<80x128xf32, #tpu.memory_space<vmem>>, vector<16xf32>,
      tpu.vector_store %arg9[%swap3A_72, %swap3A_73], %broadcast_in_dim3A_0 {strides = array<i32>} : memref<80x128xf32, #tpu.memory_space<vmem>>, vector<16xf32>,
      %swap3A_75 = arith.index_cast %add3A_57 : i32 to index
      %swap3A_76 = arith.constant 96 : index
      %swap3A_77 = tpu.vector_load %arg9[%swap3A_75, %swap3A_76] {strides = array<i32>} : memref<80x128xf32, #tpu.memory_space<vmem>>, vector<16xf32>,
      tpu.vector_store %arg9[%swap3A_75, %swap3A_76], %broadcast_in_dim3A_0 {strides = array<i32>} : memref<80x128xf32, #tpu.memory_space<vmem>>, vector<16xf32>,
      %swap3A_78 = arith.index_cast %add3A_57 : i32 to index
      %swap3A_79 = arith.constant 112 : index
      %swap3A_80 = tpu.vector_load %arg9[%swap3A_78, %swap3A_79] {strides = array<i32>} : memref<80x128xf32, #tpu.memory_space<vmem>>, vector<16xf32>,
      tpu.vector_store %arg9[%swap3A_78, %swap3A_79], %broadcast_in_dim3A_0 {strides = array<i32>} : memref<80x128xf32, #tpu.memory_space<vmem>>, vector<16xf32>,
    }
    %scan3A_11 = arith.constant 80 : i32
    %mul3A = arith.constant 632 : i32
    %mul3A_12 = arith.muli %arg1, %mul3A : i32
    %add3A = arith.constant 0 : i32
    %add3A_13 = arith.addi %mul3A_12, %add3A : i32
    "tpu.region"() ({
      %run_scoped3A = tpu.sem_alloc : memref<!tpu.dma_semaphore, #tpu.memory_space<semaphore_mem>>
      %dma_start3A = arith.constant 0 : i32
      %dma_start3A_53 = tpu.memref_slice %arg12[%add3A_13, %dma_start3A] : memref<10112x128xf32, #tpu.memory_space<vmem_shared>> -> memref<80x128xf32, #tpu.memory_space<vmem_shared>>
      %dma_start3A_54 = arith.constant 0 : i32
      %dma_start3A_55 = tpu.memref_slice %arg12[%add3A_13, %dma_start3A_54] : memref<10112x128xf32, #tpu.memory_space<vmem_shared>> -> memref<80x128xf32, #tpu.memory_space<vmem_shared>>
      tpu.enqueue_dma source(%arg9 : memref<80x128xf32, #tpu.memory_space<vmem>>) target(%dma_start3A_55 : memref<80x128xf32, #tpu.memory_space<vmem_shared>>) target_semaphore(%run_scoped3A : memref<!tpu.dma_semaphore, #tpu.memory_space<semaphore_mem>>)
      %dma_wait3A = arith.constant 0 : i32
      %dma_wait3A_56 = tpu.memref_slice %arg12[%add3A_13, %dma_wait3A] : memref<10112x128xf32, #tpu.memory_space<vmem_shared>> -> memref<80x128xf32, #tpu.memory_space<vmem_shared>>
      %dma_wait3A_57 = arith.constant 0 : i32
      %dma_wait3A_58 = tpu.memref_slice %arg12[%add3A_13, %dma_wait3A_57] : memref<10112x128xf32, #tpu.memory_space<vmem_shared>> -> memref<80x128xf32, #tpu.memory_space<vmem_shared>>
      tpu.wait_dma2 semaphore(%run_scoped3A : memref<!tpu.dma_semaphore, #tpu.memory_space<semaphore_mem>>) src(%arg9 : memref<80x128xf32, #tpu.memory_space<vmem>>) dst(%dma_wait3A_58 : memref<80x128xf32, #tpu.memory_space<vmem_shared>>)
      tpu.yield
    }) : () -> ()
    %mul3A_14 = arith.constant 632 : i32
    %mul3A_15 = arith.muli %arg1, %mul3A_14 : i32
    %add3A_16 = arith.constant 80 : i32
    %add3A_17 = arith.addi %mul3A_15, %add3A_16 : i32
    "tpu.region"() ({
      %run_scoped3A = tpu.sem_alloc : memref<!tpu.dma_semaphore, #tpu.memory_space<semaphore_mem>>
      %dma_start3A = arith.constant 0 : i32
      %dma_start3A_53 = tpu.memref_slice %arg12[%add3A_17, %dma_start3A] : memref<10112x128xf32, #tpu.memory_space<vmem_shared>> -> memref<80x128xf32, #tpu.memory_space<vmem_shared>>
      %dma_start3A_54 = arith.constant 0 : i32
      %dma_start3A_55 = tpu.memref_slice %arg12[%add3A_17, %dma_start3A_54] : memref<10112x128xf32, #tpu.memory_space<vmem_shared>> -> memref<80x128xf32, #tpu.memory_space<vmem_shared>>
      tpu.enqueue_dma source(%arg9 : memref<80x128xf32, #tpu.memory_space<vmem>>) target(%dma_start3A_55 : memref<80x128xf32, #tpu.memory_space<vmem_shared>>) target_semaphore(%run_scoped3A : memref<!tpu.dma_semaphore, #tpu.memory_space<semaphore_mem>>)
      %dma_wait3A = arith.constant 0 : i32
      %dma_wait3A_56 = tpu.memref_slice %arg12[%add3A_17, %dma_wait3A] : memref<10112x128xf32, #tpu.memory_space<vmem_shared>> -> memref<80x128xf32, #tpu.memory_space<vmem_shared>>
      %dma_wait3A_57 = arith.constant 0 : i32
      %dma_wait3A_58 = tpu.memref_slice %arg12[%add3A_17, %dma_wait3A_57] : memref<10112x128xf32, #tpu.memory_space<vmem_shared>> -> memref<80x128xf32, #tpu.memory_space<vmem_shared>>
      tpu.wait_dma2 semaphore(%run_scoped3A : memref<!tpu.dma_semaphore, #tpu.memory_space<semaphore_mem>>) src(%arg9 : memref<80x128xf32, #tpu.memory_space<vmem>>) dst(%dma_wait3A_58 : memref<80x128xf32, #tpu.memory_space<vmem_shared>>)
      tpu.yield
    }) : () -> ()
    %mul3A_18 = arith.constant 632 : i32
    %mul3A_19 = arith.muli %arg1, %mul3A_18 : i32
    %add3A_20 = arith.constant 160 : i32
    %add3A_21 = arith.addi %mul3A_19, %add3A_20 : i32
    "tpu.region"() ({
      %run_scoped3A = tpu.sem_alloc : memref<!tpu.dma_semaphore, #tpu.memory_space<semaphore_mem>>
      %dma_start3A = arith.constant 0 : i32
      %dma_start3A_53 = tpu.memref_slice %arg12[%add3A_21, %dma_start3A] : memref<10112x128xf32, #tpu.memory_space<vmem_shared>> -> memref<80x128xf32, #tpu.memory_space<vmem_shared>>
      %dma_start3A_54 = arith.constant 0 : i32
      %dma_start3A_55 = tpu.memref_slice %arg12[%add3A_21, %dma_start3A_54] : memref<10112x128xf32, #tpu.memory_space<vmem_shared>> -> memref<80x128xf32, #tpu.memory_space<vmem_shared>>
      tpu.enqueue_dma source(%arg9 : memref<80x128xf32, #tpu.memory_space<vmem>>) target(%dma_start3A_55 : memref<80x128xf32, #tpu.memory_space<vmem_shared>>) target_semaphore(%run_scoped3A : memref<!tpu.dma_semaphore, #tpu.memory_space<semaphore_mem>>)
      %dma_wait3A = arith.constant 0 : i32
      %dma_wait3A_56 = tpu.memref_slice %arg12[%add3A_21, %dma_wait3A] : memref<10112x128xf32, #tpu.memory_space<vmem_shared>> -> memref<80x128xf32, #tpu.memory_space<vmem_shared>>
      %dma_wait3A_57 = arith.constant 0 : i32
      %dma_wait3A_58 = tpu.memref_slice %arg12[%add3A_21, %dma_wait3A_57] : memref<10112x128xf32, #tpu.memory_space<vmem_shared>> -> memref<80x128xf32, #tpu.memory_space<vmem_shared>>
      tpu.wait_dma2 semaphore(%run_scoped3A : memref<!tpu.dma_semaphore, #tpu.memory_space<semaphore_mem>>) src(%arg9 : memref<80x128xf32, #tpu.memory_space<vmem>>) dst(%dma_wait3A_58 : memref<80x128xf32, #tpu.memory_space<vmem_shared>>)
      tpu.yield
    }) : () -> ()
    %mul3A_22 = arith.constant 632 : i32
    %mul3A_23 = arith.muli %arg1, %mul3A_22 : i32
    %add3A_24 = arith.constant 240 : i32
    %add3A_25 = arith.addi %mul3A_23, %add3A_24 : i32
    "tpu.region"() ({
      %run_scoped3A = tpu.sem_alloc : memref<!tpu.dma_semaphore, #tpu.memory_space<semaphore_mem>>
      %dma_start3A = arith.constant 0 : i32
      %dma_start3A_53 = tpu.memref_slice %arg12[%add3A_25, %dma_start3A] : memref<10112x128xf32, #tpu.memory_space<vmem_shared>> -> memref<80x128xf32, #tpu.memory_space<vmem_shared>>
      %dma_start3A_54 = arith.constant 0 : i32
      %dma_start3A_55 = tpu.memref_slice %arg12[%add3A_25, %dma_start3A_54] : memref<10112x128xf32, #tpu.memory_space<vmem_shared>> -> memref<80x128xf32, #tpu.memory_space<vmem_shared>>
      tpu.enqueue_dma source(%arg9 : memref<80x128xf32, #tpu.memory_space<vmem>>) target(%dma_start3A_55 : memref<80x128xf32, #tpu.memory_space<vmem_shared>>) target_semaphore(%run_scoped3A : memref<!tpu.dma_semaphore, #tpu.memory_space<semaphore_mem>>)
      %dma_wait3A = arith.constant 0 : i32
      %dma_wait3A_56 = tpu.memref_slice %arg12[%add3A_25, %dma_wait3A] : memref<10112x128xf32, #tpu.memory_space<vmem_shared>> -> memref<80x128xf32, #tpu.memory_space<vmem_shared>>
      %dma_wait3A_57 = arith.constant 0 : i32
      %dma_wait3A_58 = tpu.memref_slice %arg12[%add3A_25, %dma_wait3A_57] : memref<10112x128xf32, #tpu.memory_space<vmem_shared>> -> memref<80x128xf32, #tpu.memory_space<vmem_shared>>
      tpu.wait_dma2 semaphore(%run_scoped3A : memref<!tpu.dma_semaphore, #tpu.memory_space<semaphore_mem>>) src(%arg9 : memref<80x128xf32, #tpu.memory_space<vmem>>) dst(%dma_wait3A_58 : memref<80x128xf32, #tpu.memory_space<vmem_shared>>)
      tpu.yield
    }) : () -> ()
    %mul3A_26 = arith.constant 632 : i32
    %mul3A_27 = arith.muli %arg1, %mul3A_26 : i32
    %add3A_28 = arith.constant 320 : i32
    %add3A_29 = arith.addi %mul3A_27, %add3A_28 : i32
    "tpu.region"() ({
      %run_scoped3A = tpu.sem_alloc : memref<!tpu.dma_semaphore, #tpu.memory_space<semaphore_mem>>
      %dma_start3A = arith.constant 0 : i32
      %dma_start3A_53 = tpu.memref_slice %arg12[%add3A_29, %dma_start3A] : memref<10112x128xf32, #tpu.memory_space<vmem_shared>> -> memref<80x128xf32, #tpu.memory_space<vmem_shared>>
      %dma_start3A_54 = arith.constant 0 : i32
      %dma_start3A_55 = tpu.memref_slice %arg12[%add3A_29, %dma_start3A_54] : memref<10112x128xf32, #tpu.memory_space<vmem_shared>> -> memref<80x128xf32, #tpu.memory_space<vmem_shared>>
      tpu.enqueue_dma source(%arg9 : memref<80x128xf32, #tpu.memory_space<vmem>>) target(%dma_start3A_55 : memref<80x128xf32, #tpu.memory_space<vmem_shared>>) target_semaphore(%run_scoped3A : memref<!tpu.dma_semaphore, #tpu.memory_space<semaphore_mem>>)
      %dma_wait3A = arith.constant 0 : i32
      %dma_wait3A_56 = tpu.memref_slice %arg12[%add3A_29, %dma_wait3A] : memref<10112x128xf32, #tpu.memory_space<vmem_shared>> -> memref<80x128xf32, #tpu.memory_space<vmem_shared>>
      %dma_wait3A_57 = arith.constant 0 : i32
      %dma_wait3A_58 = tpu.memref_slice %arg12[%add3A_29, %dma_wait3A_57] : memref<10112x128xf32, #tpu.memory_space<vmem_shared>> -> memref<80x128xf32, #tpu.memory_space<vmem_shared>>
      tpu.wait_dma2 semaphore(%run_scoped3A : memref<!tpu.dma_semaphore, #tpu.memory_space<semaphore_mem>>) src(%arg9 : memref<80x128xf32, #tpu.memory_space<vmem>>) dst(%dma_wait3A_58 : memref<80x128xf32, #tpu.memory_space<vmem_shared>>)
      tpu.yield
    }) : () -> ()
    %mul3A_30 = arith.constant 632 : i32
    %mul3A_31 = arith.muli %arg1, %mul3A_30 : i32
    %add3A_32 = arith.constant 400 : i32
    %add3A_33 = arith.addi %mul3A_31, %add3A_32 : i32
    "tpu.region"() ({
      %run_scoped3A = tpu.sem_alloc : memref<!tpu.dma_semaphore, #tpu.memory_space<semaphore_mem>>
      %dma_start3A = arith.constant 0 : i32
      %dma_start3A_53 = tpu.memref_slice %arg12[%add3A_33, %dma_start3A] : memref<10112x128xf32, #tpu.memory_space<vmem_shared>> -> memref<80x128xf32, #tpu.memory_space<vmem_shared>>
      %dma_start3A_54 = arith.constant 0 : i32
      %dma_start3A_55 = tpu.memref_slice %arg12[%add3A_33, %dma_start3A_54] : memref<10112x128xf32, #tpu.memory_space<vmem_shared>> -> memref<80x128xf32, #tpu.memory_space<vmem_shared>>
      tpu.enqueue_dma source(%arg9 : memref<80x128xf32, #tpu.memory_space<vmem>>) target(%dma_start3A_55 : memref<80x128xf32, #tpu.memory_space<vmem_shared>>) target_semaphore(%run_scoped3A : memref<!tpu.dma_semaphore, #tpu.memory_space<semaphore_mem>>)
      %dma_wait3A = arith.constant 0 : i32
      %dma_wait3A_56 = tpu.memref_slice %arg12[%add3A_33, %dma_wait3A] : memref<10112x128xf32, #tpu.memory_space<vmem_shared>> -> memref<80x128xf32, #tpu.memory_space<vmem_shared>>
      %dma_wait3A_57 = arith.constant 0 : i32
      %dma_wait3A_58 = tpu.memref_slice %arg12[%add3A_33, %dma_wait3A_57] : memref<10112x128xf32, #tpu.memory_space<vmem_shared>> -> memref<80x128xf32, #tpu.memory_space<vmem_shared>>
      tpu.wait_dma2 semaphore(%run_scoped3A : memref<!tpu.dma_semaphore, #tpu.memory_space<semaphore_mem>>) src(%arg9 : memref<80x128xf32, #tpu.memory_space<vmem>>) dst(%dma_wait3A_58 : memref<80x128xf32, #tpu.memory_space<vmem_shared>>)
      tpu.yield
    }) : () -> ()
    %mul3A_34 = arith.constant 632 : i32
    %mul3A_35 = arith.muli %arg1, %mul3A_34 : i32
    %add3A_36 = arith.constant 480 : i32
    %add3A_37 = arith.addi %mul3A_35, %add3A_36 : i32
    "tpu.region"() ({
      %run_scoped3A = tpu.sem_alloc : memref<!tpu.dma_semaphore, #tpu.memory_space<semaphore_mem>>
      %dma_start3A = arith.constant 0 : i32
      %dma_start3A_53 = tpu.memref_slice %arg12[%add3A_37, %dma_start3A] : memref<10112x128xf32, #tpu.memory_space<vmem_shared>> -> memref<80x128xf32, #tpu.memory_space<vmem_shared>>
      %dma_start3A_54 = arith.constant 0 : i32
      %dma_start3A_55 = tpu.memref_slice %arg12[%add3A_37, %dma_start3A_54] : memref<10112x128xf32, #tpu.memory_space<vmem_shared>> -> memref<80x128xf32, #tpu.memory_space<vmem_shared>>
      tpu.enqueue_dma source(%arg9 : memref<80x128xf32, #tpu.memory_space<vmem>>) target(%dma_start3A_55 : memref<80x128xf32, #tpu.memory_space<vmem_shared>>) target_semaphore(%run_scoped3A : memref<!tpu.dma_semaphore, #tpu.memory_space<semaphore_mem>>)
      %dma_wait3A = arith.constant 0 : i32
      %dma_wait3A_56 = tpu.memref_slice %arg12[%add3A_37, %dma_wait3A] : memref<10112x128xf32, #tpu.memory_space<vmem_shared>> -> memref<80x128xf32, #tpu.memory_space<vmem_shared>>
      %dma_wait3A_57 = arith.constant 0 : i32
      %dma_wait3A_58 = tpu.memref_slice %arg12[%add3A_37, %dma_wait3A_57] : memref<10112x128xf32, #tpu.memory_space<vmem_shared>> -> memref<80x128xf32, #tpu.memory_space<vmem_shared>>
      tpu.wait_dma2 semaphore(%run_scoped3A : memref<!tpu.dma_semaphore, #tpu.memory_space<semaphore_mem>>) src(%arg9 : memref<80x128xf32, #tpu.memory_space<vmem>>) dst(%dma_wait3A_58 : memref<80x128xf32, #tpu.memory_space<vmem_shared>>)
      tpu.yield
    }) : () -> ()
    %mul3A_38 = arith.constant 632 : i32
    %mul3A_39 = arith.muli %arg1, %mul3A_38 : i32
    %add3A_40 = arith.constant 560 : i32
    %add3A_41 = arith.addi %mul3A_39, %add3A_40 : i32
    "tpu.region"() ({
      %run_scoped3A = tpu.sem_alloc : memref<!tpu.dma_semaphore, #tpu.memory_space<semaphore_mem>>
      %dma_start3A = arith.constant 0 : i32
      %dma_start3A_53 = arith.constant 0 : i32
      %dma_start3A_54 = tpu.memref_slice %arg9[%dma_start3A, %dma_start3A_53] : memref<80x128xf32, #tpu.memory_space<vmem>> -> memref<72x128xf32, #tpu.memory_space<vmem>>
      %dma_start3A_55 = arith.constant 0 : i32
      %dma_start3A_56 = tpu.memref_slice %arg12[%add3A_41, %dma_start3A_55] : memref<10112x128xf32, #tpu.memory_space<vmem_shared>> -> memref<72x128xf32, #tpu.memory_space<vmem_shared>>
      %dma_start3A_57 = arith.constant 0 : i32
      %dma_start3A_58 = tpu.memref_slice %arg12[%add3A_41, %dma_start3A_57] : memref<10112x128xf32, #tpu.memory_space<vmem_shared>> -> memref<72x128xf32, #tpu.memory_space<vmem_shared>>
      %dma_start3A_59 = arith.constant 0 : i32
      %dma_start3A_60 = arith.constant 0 : i32
      %dma_start3A_61 = tpu.memref_slice %arg9[%dma_start3A_59, %dma_start3A_60] : memref<80x128xf32, #tpu.memory_space<vmem>> -> memref<72x128xf32, #tpu.memory_space<vmem>>
      tpu.enqueue_dma source(%dma_start3A_61 : memref<72x128xf32, #tpu.memory_space<vmem>>) target(%dma_start3A_58 : memref<72x128xf32, #tpu.memory_space<vmem_shared>>) target_semaphore(%run_scoped3A : memref<!tpu.dma_semaphore, #tpu.memory_space<semaphore_mem>>)
      %dma_wait3A = arith.constant 0 : i32
      %dma_wait3A_62 = arith.constant 0 : i32
      %dma_wait3A_63 = tpu.memref_slice %arg9[%dma_wait3A, %dma_wait3A_62] : memref<80x128xf32, #tpu.memory_space<vmem>> -> memref<72x128xf32, #tpu.memory_space<vmem>>
      %dma_wait3A_64 = arith.constant 0 : i32
      %dma_wait3A_65 = tpu.memref_slice %arg12[%add3A_41, %dma_wait3A_64] : memref<10112x128xf32, #tpu.memory_space<vmem_shared>> -> memref<72x128xf32, #tpu.memory_space<vmem_shared>>
      %dma_wait3A_66 = arith.constant 0 : i32
      %dma_wait3A_67 = tpu.memref_slice %arg12[%add3A_41, %dma_wait3A_66] : memref<10112x128xf32, #tpu.memory_space<vmem_shared>> -> memref<72x128xf32, #tpu.memory_space<vmem_shared>>
      %dma_wait3A_68 = arith.constant 0 : i32
      %dma_wait3A_69 = arith.constant 0 : i32
      %dma_wait3A_70 = tpu.memref_slice %arg9[%dma_wait3A_68, %dma_wait3A_69] : memref<80x128xf32, #tpu.memory_space<vmem>> -> memref<72x128xf32, #tpu.memory_space<vmem>>
      tpu.wait_dma2 semaphore(%run_scoped3A : memref<!tpu.dma_semaphore, #tpu.memory_space<semaphore_mem>>) src(%dma_wait3A_70 : memref<72x128xf32, #tpu.memory_space<vmem>>) dst(%dma_wait3A_67 : memref<72x128xf32, #tpu.memory_space<vmem_shared>>)
      tpu.yield
    }) : () -> ()
    %barrier3A = arith.constant 0 : index
    tpu.barrier barrier_id(%barrier3A)
    %eq3A = arith.constant 0 : i32
    %eq3A_42 = arith.cmpi eq, %arg0, %eq3A : i32
    %convert_element_type3A = arith.extui %eq3A_42 : i1 to i32
    %cond3A = arith.constant 0 : i32
    %cond3A_43 = arith.cmpi ne, %convert_element_type3A, %cond3A : i32
    scf.if %cond3A_43 {
      %mul3A_53 = arith.constant 10080 : i32
      %mul3A_54 = arith.muli %arg1, %mul3A_53 : i32
      %run_scoped3A = arith.constant 0 : i32
      "tpu.region"() ({
        %run_scoped3A_67 = tpu.sem_alloc : memref<!tpu.dma_semaphore, #tpu.memory_space<semaphore_mem>>
        %dma_start3A_68 = arith.constant 0 : i32
        %dma_start3A_69 = tpu.memref_slice %arg7[%run_scoped3A, %dma_start3A_68] : memref<2x80xi32, #tpu.memory_space<vmem>> -> memref<1x80xi32, #tpu.memory_space<vmem>>
        %dma_start3A_70 = tpu.memref_squeeze %dma_start3A_69 : memref<1x80xi32, #tpu.memory_space<vmem>> -> memref<80xi32, #tpu.memory_space<vmem>>
        %dma_start3A_71 = tpu.memref_slice %arg3[%mul3A_54] : memref<320000xi32, #tpu.memory_space<hbm>> -> memref<80xi32, #tpu.memory_space<hbm>>
        %dma_start3A_72 = arith.constant 0 : i32
        %dma_start3A_73 = tpu.memref_slice %arg7[%run_scoped3A, %dma_start3A_72] : memref<2x80xi32, #tpu.memory_space<vmem>> -> memref<1x80xi32, #tpu.memory_space<vmem>>
        %dma_start3A_74 = tpu.memref_squeeze %dma_start3A_73 : memref<1x80xi32, #tpu.memory_space<vmem>> -> memref<80xi32, #tpu.memory_space<vmem>>
        %dma_start3A_75 = tpu.memref_slice %arg3[%mul3A_54] : memref<320000xi32, #tpu.memory_space<hbm>> -> memref<80xi32, #tpu.memory_space<hbm>>
        tpu.enqueue_dma source(%dma_start3A_75 : memref<80xi32, #tpu.memory_space<hbm>>) target(%dma_start3A_74 : memref<80xi32, #tpu.memory_space<vmem>>) target_semaphore(%run_scoped3A_67 : memref<!tpu.dma_semaphore, #tpu.memory_space<semaphore_mem>>)
        %dma_wait3A = arith.constant 0 : i32
        %dma_wait3A_76 = tpu.memref_slice %arg7[%run_scoped3A, %dma_wait3A] : memref<2x80xi32, #tpu.memory_space<vmem>> -> memref<1x80xi32, #tpu.memory_space<vmem>>
        %dma_wait3A_77 = tpu.memref_squeeze %dma_wait3A_76 : memref<1x80xi32, #tpu.memory_space<vmem>> -> memref<80xi32, #tpu.memory_space<vmem>>
        %dma_wait3A_78 = tpu.memref_slice %arg3[%mul3A_54] : memref<320000xi32, #tpu.memory_space<hbm>> -> memref<80xi32, #tpu.memory_space<hbm>>
        %dma_wait3A_79 = arith.constant 0 : i32
        %dma_wait3A_80 = tpu.memref_slice %arg7[%run_scoped3A, %dma_wait3A_79] : memref<2x80xi32, #tpu.memory_space<vmem>> -> memref<1x80xi32, #tpu.memory_space<vmem>>
        %dma_wait3A_81 = tpu.memref_squeeze %dma_wait3A_80 : memref<1x80xi32, #tpu.memory_space<vmem>> -> memref<80xi32, #tpu.memory_space<vmem>>
        %dma_wait3A_82 = tpu.memref_slice %arg3[%mul3A_54] : memref<320000xi32, #tpu.memory_space<hbm>> -> memref<80xi32, #tpu.memory_space<hbm>>
        tpu.wait_dma2 semaphore(%run_scoped3A_67 : memref<!tpu.dma_semaphore, #tpu.memory_space<semaphore_mem>>) src(%dma_wait3A_82 : memref<80xi32, #tpu.memory_space<hbm>>) dst(%dma_wait3A_81 : memref<80xi32, #tpu.memory_space<vmem>>)
        tpu.yield
      }) : () -> ()
      %run_scoped3A_55 = arith.constant 0 : i32
      "tpu.region"() ({
        %run_scoped3A_67 = tpu.sem_alloc : memref<!tpu.dma_semaphore, #tpu.memory_space<semaphore_mem>>
        %dma_start3A_68 = arith.constant 0 : i32
        %dma_start3A_69 = tpu.memref_slice %arg8[%run_scoped3A_55, %dma_start3A_68] : memref<2x80xi32, #tpu.memory_space<vmem>> -> memref<1x80xi32, #tpu.memory_space<vmem>>
        %dma_start3A_70 = tpu.memref_squeeze %dma_start3A_69 : memref<1x80xi32, #tpu.memory_space<vmem>> -> memref<80xi32, #tpu.memory_space<vmem>>
        %dma_start3A_71 = tpu.memref_slice %arg4[%mul3A_54] : memref<320000xi32, #tpu.memory_space<hbm>> -> memref<80xi32, #tpu.memory_space<hbm>>
        %dma_start3A_72 = arith.constant 0 : i32
        %dma_start3A_73 = tpu.memref_slice %arg8[%run_scoped3A_55, %dma_start3A_72] : memref<2x80xi32, #tpu.memory_space<vmem>> -> memref<1x80xi32, #tpu.memory_space<vmem>>
        %dma_start3A_74 = tpu.memref_squeeze %dma_start3A_73 : memref<1x80xi32, #tpu.memory_space<vmem>> -> memref<80xi32, #tpu.memory_space<vmem>>
        %dma_start3A_75 = tpu.memref_slice %arg4[%mul3A_54] : memref<320000xi32, #tpu.memory_space<hbm>> -> memref<80xi32, #tpu.memory_space<hbm>>
        tpu.enqueue_dma source(%dma_start3A_75 : memref<80xi32, #tpu.memory_space<hbm>>) target(%dma_start3A_74 : memref<80xi32, #tpu.memory_space<vmem>>) target_semaphore(%run_scoped3A_67 : memref<!tpu.dma_semaphore, #tpu.memory_space<semaphore_mem>>)
        %dma_wait3A = arith.constant 0 : i32
        %dma_wait3A_76 = tpu.memref_slice %arg8[%run_scoped3A_55, %dma_wait3A] : memref<2x80xi32, #tpu.memory_space<vmem>> -> memref<1x80xi32, #tpu.memory_space<vmem>>
        %dma_wait3A_77 = tpu.memref_squeeze %dma_wait3A_76 : memref<1x80xi32, #tpu.memory_space<vmem>> -> memref<80xi32, #tpu.memory_space<vmem>>
        %dma_wait3A_78 = tpu.memref_slice %arg4[%mul3A_54] : memref<320000xi32, #tpu.memory_space<hbm>> -> memref<80xi32, #tpu.memory_space<hbm>>
        %dma_wait3A_79 = arith.constant 0 : i32
        %dma_wait3A_80 = tpu.memref_slice %arg8[%run_scoped3A_55, %dma_wait3A_79] : memref<2x80xi32, #tpu.memory_space<vmem>> -> memref<1x80xi32, #tpu.memory_space<vmem>>
        %dma_wait3A_81 = tpu.memref_squeeze %dma_wait3A_80 : memref<1x80xi32, #tpu.memory_space<vmem>> -> memref<80xi32, #tpu.memory_space<vmem>>
        %dma_wait3A_82 = tpu.memref_slice %arg4[%mul3A_54] : memref<320000xi32, #tpu.memory_space<hbm>> -> memref<80xi32, #tpu.memory_space<hbm>>
        tpu.wait_dma2 semaphore(%run_scoped3A_67 : memref<!tpu.dma_semaphore, #tpu.memory_space<semaphore_mem>>) src(%dma_wait3A_82 : memref<80xi32, #tpu.memory_space<hbm>>) dst(%dma_wait3A_81 : memref<80xi32, #tpu.memory_space<vmem>>)
        tpu.yield
      }) : () -> ()
      %dma_start3A = arith.constant 0 : i32
      %dma_start3A_56 = arith.constant 0 : i32
      %dma_start3A_57 = tpu.memref_slice %arg7[%dma_start3A, %dma_start3A_56] : memref<2x80xi32, #tpu.memory_space<vmem>> -> memref<1x80xi32, #tpu.memory_space<vmem>>
      %dma_start3A_58 = tpu.memref_squeeze %dma_start3A_57 : memref<1x80xi32, #tpu.memory_space<vmem>> -> memref<80xi32, #tpu.memory_space<vmem>>
      %dma_start3A_59 = arith.constant 0 : i32
      %dma_start3A_60 = arith.constant 0 : i32
      %dma_start3A_61 = tpu.memref_slice %arg2[%dma_start3A_59, %dma_start3A_60] : memref<10000x128xf32, #tpu.memory_space<hbm>> -> memref<10000x128xf32, #tpu.memory_space<hbm>>
      tpu.enqueue_indirect_dma source(%dma_start3A_61 : memref<10000x128xf32, #tpu.memory_space<hbm>>) target(%arg9 : memref<80x128xf32, #tpu.memory_space<vmem>>) offsets(%dma_start3A_58 : memref<80xi32, #tpu.memory_space<vmem>>) semaphore(%arg13 : memref<!tpu.dma_semaphore, #tpu.memory_space<semaphore_mem>>)
      %scan3A_62 = arith.constant 0 : i32
      %scan3A_63 = arith.constant 63 : i32
      %scan3A_64 = arith.addi %scan3A_62, %scan3A_63 : i32
      %scan3A_65 = arith.constant 1 : i32
      scf.for %scan3A_67 = %scan3A_62 to %scan3A_64 step %scan3A_65  : i32 {
        %mul3A_68 = arith.constant 1 : i32
        %mul3A_69 = arith.muli %scan3A_67, %mul3A_68 : i32
        %add3A_70 = arith.constant 0 : i32
        %add3A_71 = arith.addi %add3A_70, %mul3A_69 : i32
        %mul3A_72 = arith.constant 2 : i32
        %mul3A_73 = arith.muli %add3A_71, %mul3A_72 : i32
        %add3A_74 = arith.constant 1 : i32
        %add3A_75 = arith.addi %mul3A_73, %add3A_74 : i32
        %mul3A_76 = arith.constant 80 : i32
        %mul3A_77 = arith.muli %add3A_75, %mul3A_76 : i32
        %add3A_78 = arith.addi %mul3A_54, %mul3A_77 : i32
        %run_scoped3A_79 = arith.constant 1 : i32
        "tpu.region"() ({
          %run_scoped3A_148 = tpu.sem_alloc : memref<!tpu.dma_semaphore, #tpu.memory_space<semaphore_mem>>
          %dma_start3A_149 = arith.constant 0 : i32
          %dma_start3A_150 = tpu.memref_slice %arg7[%run_scoped3A_79, %dma_start3A_149] : memref<2x80xi32, #tpu.memory_space<vmem>> -> memref<1x80xi32, #tpu.memory_space<vmem>>
          %dma_start3A_151 = tpu.memref_squeeze %dma_start3A_150 : memref<1x80xi32, #tpu.memory_space<vmem>> -> memref<80xi32, #tpu.memory_space<vmem>>
          %dma_start3A_152 = tpu.memref_slice %arg3[%add3A_78] : memref<320000xi32, #tpu.memory_space<hbm>> -> memref<80xi32, #tpu.memory_space<hbm>>
          %dma_start3A_153 = arith.constant 0 : i32
          %dma_start3A_154 = tpu.memref_slice %arg7[%run_scoped3A_79, %dma_start3A_153] : memref<2x80xi32, #tpu.memory_space<vmem>> -> memref<1x80xi32, #tpu.memory_space<vmem>>
          %dma_start3A_155 = tpu.memref_squeeze %dma_start3A_154 : memref<1x80xi32, #tpu.memory_space<vmem>> -> memref<80xi32, #tpu.memory_space<vmem>>
          %dma_start3A_156 = tpu.memref_slice %arg3[%add3A_78] : memref<320000xi32, #tpu.memory_space<hbm>> -> memref<80xi32, #tpu.memory_space<hbm>>
          tpu.enqueue_dma source(%dma_start3A_156 : memref<80xi32, #tpu.memory_space<hbm>>) target(%dma_start3A_155 : memref<80xi32, #tpu.memory_space<vmem>>) target_semaphore(%run_scoped3A_148 : memref<!tpu.dma_semaphore, #tpu.memory_space<semaphore_mem>>)
          %dma_wait3A_157 = arith.constant 0 : i32
          %dma_wait3A_158 = tpu.memref_slice %arg7[%run_scoped3A_79, %dma_wait3A_157] : memref<2x80xi32, #tpu.memory_space<vmem>> -> memref<1x80xi32, #tpu.memory_space<vmem>>
          %dma_wait3A_159 = tpu.memref_squeeze %dma_wait3A_158 : memref<1x80xi32, #tpu.memory_space<vmem>> -> memref<80xi32, #tpu.memory_space<vmem>>
          %dma_wait3A_160 = tpu.memref_slice %arg3[%add3A_78] : memref<320000xi32, #tpu.memory_space<hbm>> -> memref<80xi32, #tpu.memory_space<hbm>>
          %dma_wait3A_161 = arith.constant 0 : i32
          %dma_wait3A_162 = tpu.memref_slice %arg7[%run_scoped3A_79, %dma_wait3A_161] : memref<2x80xi32, #tpu.memory_space<vmem>> -> memref<1x80xi32, #tpu.memory_space<vmem>>
          %dma_wait3A_163 = tpu.memref_squeeze %dma_wait3A_162 : memref<1x80xi32, #tpu.memory_space<vmem>> -> memref<80xi32, #tpu.memory_space<vmem>>
          %dma_wait3A_164 = tpu.memref_slice %arg3[%add3A_78] : memref<320000xi32, #tpu.memory_space<hbm>> -> memref<80xi32, #tpu.memory_space<hbm>>
          tpu.wait_dma2 semaphore(%run_scoped3A_148 : memref<!tpu.dma_semaphore, #tpu.memory_space<semaphore_mem>>) src(%dma_wait3A_164 : memref<80xi32, #tpu.memory_space<hbm>>) dst(%dma_wait3A_163 : memref<80xi32, #tpu.memory_space<vmem>>)
          tpu.yield
        }) : () -> ()
        %run_scoped3A_80 = arith.constant 1 : i32
        "tpu.region"() ({
          %run_scoped3A_148 = tpu.sem_alloc : memref<!tpu.dma_semaphore, #tpu.memory_space<semaphore_mem>>
          %dma_start3A_149 = arith.constant 0 : i32
          %dma_start3A_150 = tpu.memref_slice %arg8[%run_scoped3A_80, %dma_start3A_149] : memref<2x80xi32, #tpu.memory_space<vmem>> -> memref<1x80xi32, #tpu.memory_space<vmem>>
          %dma_start3A_151 = tpu.memref_squeeze %dma_start3A_150 : memref<1x80xi32, #tpu.memory_space<vmem>> -> memref<80xi32, #tpu.memory_space<vmem>>
          %dma_start3A_152 = tpu.memref_slice %arg4[%add3A_78] : memref<320000xi32, #tpu.memory_space<hbm>> -> memref<80xi32, #tpu.memory_space<hbm>>
          %dma_start3A_153 = arith.constant 0 : i32
          %dma_start3A_154 = tpu.memref_slice %arg8[%run_scoped3A_80, %dma_start3A_153] : memref<2x80xi32, #tpu.memory_space<vmem>> -> memref<1x80xi32, #tpu.memory_space<vmem>>
          %dma_start3A_155 = tpu.memref_squeeze %dma_start3A_154 : memref<1x80xi32, #tpu.memory_space<vmem>> -> memref<80xi32, #tpu.memory_space<vmem>>
          %dma_start3A_156 = tpu.memref_slice %arg4[%add3A_78] : memref<320000xi32, #tpu.memory_space<hbm>> -> memref<80xi32, #tpu.memory_space<hbm>>
          tpu.enqueue_dma source(%dma_start3A_156 : memref<80xi32, #tpu.memory_space<hbm>>) target(%dma_start3A_155 : memref<80xi32, #tpu.memory_space<vmem>>) target_semaphore(%run_scoped3A_148 : memref<!tpu.dma_semaphore, #tpu.memory_space<semaphore_mem>>)
          %dma_wait3A_157 = arith.constant 0 : i32
          %dma_wait3A_158 = tpu.memref_slice %arg8[%run_scoped3A_80, %dma_wait3A_157] : memref<2x80xi32, #tpu.memory_space<vmem>> -> memref<1x80xi32, #tpu.memory_space<vmem>>
          %dma_wait3A_159 = tpu.memref_squeeze %dma_wait3A_158 : memref<1x80xi32, #tpu.memory_space<vmem>> -> memref<80xi32, #tpu.memory_space<vmem>>
          %dma_wait3A_160 = tpu.memref_slice %arg4[%add3A_78] : memref<320000xi32, #tpu.memory_space<hbm>> -> memref<80xi32, #tpu.memory_space<hbm>>
          %dma_wait3A_161 = arith.constant 0 : i32
          %dma_wait3A_162 = tpu.memref_slice %arg8[%run_scoped3A_80, %dma_wait3A_161] : memref<2x80xi32, #tpu.memory_space<vmem>> -> memref<1x80xi32, #tpu.memory_space<vmem>>
          %dma_wait3A_163 = tpu.memref_squeeze %dma_wait3A_162 : memref<1x80xi32, #tpu.memory_space<vmem>> -> memref<80xi32, #tpu.memory_space<vmem>>
          %dma_wait3A_164 = tpu.memref_slice %arg4[%add3A_78] : memref<320000xi32, #tpu.memory_space<hbm>> -> memref<80xi32, #tpu.memory_space<hbm>>
          tpu.wait_dma2 semaphore(%run_scoped3A_148 : memref<!tpu.dma_semaphore, #tpu.memory_space<semaphore_mem>>) src(%dma_wait3A_164 : memref<80xi32, #tpu.memory_space<hbm>>) dst(%dma_wait3A_163 : memref<80xi32, #tpu.memory_space<vmem>>)
          tpu.yield
        }) : () -> ()
        %dma_start3A_81 = arith.constant 1 : i32
        %dma_start3A_82 = arith.constant 0 : i32
        %dma_start3A_83 = tpu.memref_slice %arg7[%dma_start3A_81, %dma_start3A_82] : memref<2x80xi32, #tpu.memory_space<vmem>> -> memref<1x80xi32, #tpu.memory_space<vmem>>
        %dma_start3A_84 = tpu.memref_squeeze %dma_start3A_83 : memref<1x80xi32, #tpu.memory_space<vmem>> -> memref<80xi32, #tpu.memory_space<vmem>>
        %dma_start3A_85 = arith.constant 0 : i32
        %dma_start3A_86 = arith.constant 0 : i32
        %dma_start3A_87 = tpu.memref_slice %arg2[%dma_start3A_85, %dma_start3A_86] : memref<10000x128xf32, #tpu.memory_space<hbm>> -> memref<10000x128xf32, #tpu.memory_space<hbm>>
        tpu.enqueue_indirect_dma source(%dma_start3A_87 : memref<10000x128xf32, #tpu.memory_space<hbm>>) target(%arg10 : memref<80x128xf32, #tpu.memory_space<vmem>>) offsets(%dma_start3A_84 : memref<80xi32, #tpu.memory_space<vmem>>) semaphore(%arg14 : memref<!tpu.dma_semaphore, #tpu.memory_space<semaphore_mem>>)
        %dma_wait3A = arith.constant 0 : i32
        %dma_wait3A_88 = arith.constant 0 : i32
        %dma_wait3A_89 = tpu.memref_slice %arg7[%dma_wait3A, %dma_wait3A_88] : memref<2x80xi32, #tpu.memory_space<vmem>> -> memref<1x80xi32, #tpu.memory_space<vmem>>
        %dma_wait3A_90 = tpu.memref_squeeze %dma_wait3A_89 : memref<1x80xi32, #tpu.memory_space<vmem>> -> memref<80xi32, #tpu.memory_space<vmem>>
        %dma_wait3A_91 = arith.constant 0 : i32
        %dma_wait3A_92 = arith.constant 0 : i32
        %dma_wait3A_93 = tpu.memref_slice %arg2[%dma_wait3A_91, %dma_wait3A_92] : memref<10000x128xf32, #tpu.memory_space<hbm>> -> memref<10000x128xf32, #tpu.memory_space<hbm>>
        tpu.wait_indirect_dma semaphore(%arg13 : memref<!tpu.dma_semaphore, #tpu.memory_space<semaphore_mem>>) src(%dma_wait3A_93 : memref<10000x128xf32, #tpu.memory_space<hbm>>) dst(%arg9 : memref<80x128xf32, #tpu.memory_space<vmem>>)
        %run_scoped3A_94 = arith.constant 0 : i32
        "tpu.region"() ({
          %run_scoped3A_148 = tpu.sem_alloc : memref<!tpu.dma_semaphore, #tpu.memory_space<semaphore_mem>>
          %dma_start3A_149 = arith.constant 0 : i32
          %dma_start3A_150 = tpu.memref_slice %arg8[%run_scoped3A_94, %dma_start3A_149] : memref<2x80xi32, #tpu.memory_space<vmem>> -> memref<1x80xi32, #tpu.memory_space<vmem>>
          %dma_start3A_151 = tpu.memref_squeeze %dma_start3A_150 : memref<1x80xi32, #tpu.memory_space<vmem>> -> memref<80xi32, #tpu.memory_space<vmem>>
          %dma_start3A_152 = arith.constant 0 : i32
          %dma_start3A_153 = arith.constant 0 : i32
          %dma_start3A_154 = tpu.memref_slice %arg12[%dma_start3A_152, %dma_start3A_153] : memref<10112x128xf32, #tpu.memory_space<vmem_shared>> -> memref<10112x128xf32, #tpu.memory_space<vmem_shared>>
          tpu.enqueue_indirect_dma source(%arg9 : memref<80x128xf32, #tpu.memory_space<vmem>>) target(%dma_start3A_154 : memref<10112x128xf32, #tpu.memory_space<vmem_shared>>) offsets(%dma_start3A_151 : memref<80xi32, #tpu.memory_space<vmem>>) semaphore(%run_scoped3A_148 : memref<!tpu.dma_semaphore, #tpu.memory_space<semaphore_mem>>) {add = true}
          %dma_wait3A_155 = arith.constant 0 : i32
          %dma_wait3A_156 = tpu.memref_slice %arg8[%run_scoped3A_94, %dma_wait3A_155] : memref<2x80xi32, #tpu.memory_space<vmem>> -> memref<1x80xi32, #tpu.memory_space<vmem>>
          %dma_wait3A_157 = tpu.memref_squeeze %dma_wait3A_156 : memref<1x80xi32, #tpu.memory_space<vmem>> -> memref<80xi32, #tpu.memory_space<vmem>>
          %dma_wait3A_158 = arith.constant 0 : i32
          %dma_wait3A_159 = arith.constant 0 : i32
          %dma_wait3A_160 = tpu.memref_slice %arg12[%dma_wait3A_158, %dma_wait3A_159] : memref<10112x128xf32, #tpu.memory_space<vmem_shared>> -> memref<10112x128xf32, #tpu.memory_space<vmem_shared>>
          tpu.wait_indirect_dma semaphore(%run_scoped3A_148 : memref<!tpu.dma_semaphore, #tpu.memory_space<semaphore_mem>>) src(%arg9 : memref<80x128xf32, #tpu.memory_space<vmem>>) dst(%dma_wait3A_160 : memref<10112x128xf32, #tpu.memory_space<vmem_shared>>)
          tpu.yield
        }) : () -> ()
        %get3A = arith.constant 0 : i32
        %get3A_95 = arith.index_cast %get3A : i32 to index
        %get3A_96 = arith.constant 0 : index
        %get3A_97 = tpu.vector_load %arg8[%get3A_95, %get3A_96] {strides = array<i32>} : memref<2x80xi32, #tpu.memory_space<vmem>>, vector<16xi32>,
        tpu.vector_store_idx %arg11[%get3A_97], %broadcast_in_dim3A_2 {add = true} : memref<10112xf32, #tpu.memory_space<vmem>>[vector<16xi32>], vector<16xf32>,
        %get3A_98 = arith.constant 0 : i32
        %get3A_99 = arith.index_cast %get3A_98 : i32 to index
        %get3A_100 = arith.constant 16 : index
        %get3A_101 = tpu.vector_load %arg8[%get3A_99, %get3A_100] {strides = array<i32>} : memref<2x80xi32, #tpu.memory_space<vmem>>, vector<16xi32>,
        tpu.vector_store_idx %arg11[%get3A_101], %broadcast_in_dim3A_2 {add = true} : memref<10112xf32, #tpu.memory_space<vmem>>[vector<16xi32>], vector<16xf32>,
        %get3A_102 = arith.constant 0 : i32
        %get3A_103 = arith.index_cast %get3A_102 : i32 to index
        %get3A_104 = arith.constant 32 : index
        %get3A_105 = tpu.vector_load %arg8[%get3A_103, %get3A_104] {strides = array<i32>} : memref<2x80xi32, #tpu.memory_space<vmem>>, vector<16xi32>,
        tpu.vector_store_idx %arg11[%get3A_105], %broadcast_in_dim3A_2 {add = true} : memref<10112xf32, #tpu.memory_space<vmem>>[vector<16xi32>], vector<16xf32>,
        %get3A_106 = arith.constant 0 : i32
        %get3A_107 = arith.index_cast %get3A_106 : i32 to index
        %get3A_108 = arith.constant 48 : index
        %get3A_109 = tpu.vector_load %arg8[%get3A_107, %get3A_108] {strides = array<i32>} : memref<2x80xi32, #tpu.memory_space<vmem>>, vector<16xi32>,
        tpu.vector_store_idx %arg11[%get3A_109], %broadcast_in_dim3A_2 {add = true} : memref<10112xf32, #tpu.memory_space<vmem>>[vector<16xi32>], vector<16xf32>,
        %get3A_110 = arith.constant 0 : i32
        %get3A_111 = arith.index_cast %get3A_110 : i32 to index
        %get3A_112 = arith.constant 64 : index
        %get3A_113 = tpu.vector_load %arg8[%get3A_111, %get3A_112] {strides = array<i32>} : memref<2x80xi32, #tpu.memory_space<vmem>>, vector<16xi32>,
        tpu.vector_store_idx %arg11[%get3A_113], %broadcast_in_dim3A_2 {add = true} : memref<10112xf32, #tpu.memory_space<vmem>>[vector<16xi32>], vector<16xf32>,
        %add3A_114 = arith.constant 2 : i32
        %add3A_115 = arith.addi %mul3A_73, %add3A_114 : i32
        %lt3A = arith.constant 126 : i32
        %lt3A_116 = arith.cmpi slt, %add3A_115, %lt3A : i32
        %convert_element_type3A_117 = arith.extui %lt3A_116 : i1 to i32
        %cond3A_118 = arith.constant 0 : i32
        %cond3A_119 = arith.cmpi ne, %convert_element_type3A_117, %cond3A_118 : i32
        scf.if %cond3A_119 {
          %add3A_148 = arith.constant 2 : i32
          %add3A_149 = arith.addi %mul3A_73, %add3A_148 : i32
          %mul3A_150 = arith.constant 80 : i32
          %mul3A_151 = arith.muli %add3A_149, %mul3A_150 : i32
          %add3A_152 = arith.addi %mul3A_54, %mul3A_151 : i32
          %run_scoped3A_153 = arith.constant 0 : i32
          "tpu.region"() ({
            %run_scoped3A_162 = tpu.sem_alloc : memref<!tpu.dma_semaphore, #tpu.memory_space<semaphore_mem>>
            %dma_start3A_163 = arith.constant 0 : i32
            %dma_start3A_164 = tpu.memref_slice %arg7[%run_scoped3A_153, %dma_start3A_163] : memref<2x80xi32, #tpu.memory_space<vmem>> -> memref<1x80xi32, #tpu.memory_space<vmem>>
            %dma_start3A_165 = tpu.memref_squeeze %dma_start3A_164 : memref<1x80xi32, #tpu.memory_space<vmem>> -> memref<80xi32, #tpu.memory_space<vmem>>
            %dma_start3A_166 = tpu.memref_slice %arg3[%add3A_152] : memref<320000xi32, #tpu.memory_space<hbm>> -> memref<80xi32, #tpu.memory_space<hbm>>
            %dma_start3A_167 = arith.constant 0 : i32
            %dma_start3A_168 = tpu.memref_slice %arg7[%run_scoped3A_153, %dma_start3A_167] : memref<2x80xi32, #tpu.memory_space<vmem>> -> memref<1x80xi32, #tpu.memory_space<vmem>>
            %dma_start3A_169 = tpu.memref_squeeze %dma_start3A_168 : memref<1x80xi32, #tpu.memory_space<vmem>> -> memref<80xi32, #tpu.memory_space<vmem>>
            %dma_start3A_170 = tpu.memref_slice %arg3[%add3A_152] : memref<320000xi32, #tpu.memory_space<hbm>> -> memref<80xi32, #tpu.memory_space<hbm>>
            tpu.enqueue_dma source(%dma_start3A_170 : memref<80xi32, #tpu.memory_space<hbm>>) target(%dma_start3A_169 : memref<80xi32, #tpu.memory_space<vmem>>) target_semaphore(%run_scoped3A_162 : memref<!tpu.dma_semaphore, #tpu.memory_space<semaphore_mem>>)
            %dma_wait3A_171 = arith.constant 0 : i32
            %dma_wait3A_172 = tpu.memref_slice %arg7[%run_scoped3A_153, %dma_wait3A_171] : memref<2x80xi32, #tpu.memory_space<vmem>> -> memref<1x80xi32, #tpu.memory_space<vmem>>
            %dma_wait3A_173 = tpu.memref_squeeze %dma_wait3A_172 : memref<1x80xi32, #tpu.memory_space<vmem>> -> memref<80xi32, #tpu.memory_space<vmem>>
            %dma_wait3A_174 = tpu.memref_slice %arg3[%add3A_152] : memref<320000xi32, #tpu.memory_space<hbm>> -> memref<80xi32, #tpu.memory_space<hbm>>
            %dma_wait3A_175 = arith.constant 0 : i32
            %dma_wait3A_176 = tpu.memref_slice %arg7[%run_scoped3A_153, %dma_wait3A_175] : memref<2x80xi32, #tpu.memory_space<vmem>> -> memref<1x80xi32, #tpu.memory_space<vmem>>
            %dma_wait3A_177 = tpu.memref_squeeze %dma_wait3A_176 : memref<1x80xi32, #tpu.memory_space<vmem>> -> memref<80xi32, #tpu.memory_space<vmem>>
            %dma_wait3A_178 = tpu.memref_slice %arg3[%add3A_152] : memref<320000xi32, #tpu.memory_space<hbm>> -> memref<80xi32, #tpu.memory_space<hbm>>
            tpu.wait_dma2 semaphore(%run_scoped3A_162 : memref<!tpu.dma_semaphore, #tpu.memory_space<semaphore_mem>>) src(%dma_wait3A_178 : memref<80xi32, #tpu.memory_space<hbm>>) dst(%dma_wait3A_177 : memref<80xi32, #tpu.memory_space<vmem>>)
            tpu.yield
          }) : () -> ()
          %run_scoped3A_154 = arith.constant 0 : i32
          "tpu.region"() ({
            %run_scoped3A_162 = tpu.sem_alloc : memref<!tpu.dma_semaphore, #tpu.memory_space<semaphore_mem>>
            %dma_start3A_163 = arith.constant 0 : i32
            %dma_start3A_164 = tpu.memref_slice %arg8[%run_scoped3A_154, %dma_start3A_163] : memref<2x80xi32, #tpu.memory_space<vmem>> -> memref<1x80xi32, #tpu.memory_space<vmem>>
            %dma_start3A_165 = tpu.memref_squeeze %dma_start3A_164 : memref<1x80xi32, #tpu.memory_space<vmem>> -> memref<80xi32, #tpu.memory_space<vmem>>
            %dma_start3A_166 = tpu.memref_slice %arg4[%add3A_152] : memref<320000xi32, #tpu.memory_space<hbm>> -> memref<80xi32, #tpu.memory_space<hbm>>
            %dma_start3A_167 = arith.constant 0 : i32
            %dma_start3A_168 = tpu.memref_slice %arg8[%run_scoped3A_154, %dma_start3A_167] : memref<2x80xi32, #tpu.memory_space<vmem>> -> memref<1x80xi32, #tpu.memory_space<vmem>>
            %dma_start3A_169 = tpu.memref_squeeze %dma_start3A_168 : memref<1x80xi32, #tpu.memory_space<vmem>> -> memref<80xi32, #tpu.memory_space<vmem>>
            %dma_start3A_170 = tpu.memref_slice %arg4[%add3A_152] : memref<320000xi32, #tpu.memory_space<hbm>> -> memref<80xi32, #tpu.memory_space<hbm>>
            tpu.enqueue_dma source(%dma_start3A_170 : memref<80xi32, #tpu.memory_space<hbm>>) target(%dma_start3A_169 : memref<80xi32, #tpu.memory_space<vmem>>) target_semaphore(%run_scoped3A_162 : memref<!tpu.dma_semaphore, #tpu.memory_space<semaphore_mem>>)
            %dma_wait3A_171 = arith.constant 0 : i32
            %dma_wait3A_172 = tpu.memref_slice %arg8[%run_scoped3A_154, %dma_wait3A_171] : memref<2x80xi32, #tpu.memory_space<vmem>> -> memref<1x80xi32, #tpu.memory_space<vmem>>
            %dma_wait3A_173 = tpu.memref_squeeze %dma_wait3A_172 : memref<1x80xi32, #tpu.memory_space<vmem>> -> memref<80xi32, #tpu.memory_space<vmem>>
            %dma_wait3A_174 = tpu.memref_slice %arg4[%add3A_152] : memref<320000xi32, #tpu.memory_space<hbm>> -> memref<80xi32, #tpu.memory_space<hbm>>
            %dma_wait3A_175 = arith.constant 0 : i32
            %dma_wait3A_176 = tpu.memref_slice %arg8[%run_scoped3A_154, %dma_wait3A_175] : memref<2x80xi32, #tpu.memory_space<vmem>> -> memref<1x80xi32, #tpu.memory_space<vmem>>
            %dma_wait3A_177 = tpu.memref_squeeze %dma_wait3A_176 : memref<1x80xi32, #tpu.memory_space<vmem>> -> memref<80xi32, #tpu.memory_space<vmem>>
            %dma_wait3A_178 = tpu.memref_slice %arg4[%add3A_152] : memref<320000xi32, #tpu.memory_space<hbm>> -> memref<80xi32, #tpu.memory_space<hbm>>
            tpu.wait_dma2 semaphore(%run_scoped3A_162 : memref<!tpu.dma_semaphore, #tpu.memory_space<semaphore_mem>>) src(%dma_wait3A_178 : memref<80xi32, #tpu.memory_space<hbm>>) dst(%dma_wait3A_177 : memref<80xi32, #tpu.memory_space<vmem>>)
            tpu.yield
          }) : () -> ()
          %dma_start3A_155 = arith.constant 0 : i32
          %dma_start3A_156 = arith.constant 0 : i32
          %dma_start3A_157 = tpu.memref_slice %arg7[%dma_start3A_155, %dma_start3A_156] : memref<2x80xi32, #tpu.memory_space<vmem>> -> memref<1x80xi32, #tpu.memory_space<vmem>>
          %dma_start3A_158 = tpu.memref_squeeze %dma_start3A_157 : memref<1x80xi32, #tpu.memory_space<vmem>> -> memref<80xi32, #tpu.memory_space<vmem>>
          %dma_start3A_159 = arith.constant 0 : i32
          %dma_start3A_160 = arith.constant 0 : i32
          %dma_start3A_161 = tpu.memref_slice %arg2[%dma_start3A_159, %dma_start3A_160] : memref<10000x128xf32, #tpu.memory_space<hbm>> -> memref<10000x128xf32, #tpu.memory_space<hbm>>
          tpu.enqueue_indirect_dma source(%dma_start3A_161 : memref<10000x128xf32, #tpu.memory_space<hbm>>) target(%arg9 : memref<80x128xf32, #tpu.memory_space<vmem>>) offsets(%dma_start3A_158 : memref<80xi32, #tpu.memory_space<vmem>>) semaphore(%arg13 : memref<!tpu.dma_semaphore, #tpu.memory_space<semaphore_mem>>)
        } else {
        }
        %dma_wait3A_120 = arith.constant 1 : i32
        %dma_wait3A_121 = arith.constant 0 : i32
        %dma_wait3A_122 = tpu.memref_slice %arg7[%dma_wait3A_120, %dma_wait3A_121] : memref<2x80xi32, #tpu.memory_space<vmem>> -> memref<1x80xi32, #tpu.memory_space<vmem>>
        %dma_wait3A_123 = tpu.memref_squeeze %dma_wait3A_122 : memref<1x80xi32, #tpu.memory_space<vmem>> -> memref<80xi32, #tpu.memory_space<vmem>>
        %dma_wait3A_124 = arith.constant 0 : i32
        %dma_wait3A_125 = arith.constant 0 : i32
        %dma_wait3A_126 = tpu.memref_slice %arg2[%dma_wait3A_124, %dma_wait3A_125] : memref<10000x128xf32, #tpu.memory_space<hbm>> -> memref<10000x128xf32, #tpu.memory_space<hbm>>
        tpu.wait_indirect_dma semaphore(%arg14 : memref<!tpu.dma_semaphore, #tpu.memory_space<semaphore_mem>>) src(%dma_wait3A_126 : memref<10000x128xf32, #tpu.memory_space<hbm>>) dst(%arg10 : memref<80x128xf32, #tpu.memory_space<vmem>>)
        %run_scoped3A_127 = arith.constant 1 : i32
        "tpu.region"() ({
          %run_scoped3A_148 = tpu.sem_alloc : memref<!tpu.dma_semaphore, #tpu.memory_space<semaphore_mem>>
          %dma_start3A_149 = arith.constant 0 : i32
          %dma_start3A_150 = tpu.memref_slice %arg8[%run_scoped3A_127, %dma_start3A_149] : memref<2x80xi32, #tpu.memory_space<vmem>> -> memref<1x80xi32, #tpu.memory_space<vmem>>
          %dma_start3A_151 = tpu.memref_squeeze %dma_start3A_150 : memref<1x80xi32, #tpu.memory_space<vmem>> -> memref<80xi32, #tpu.memory_space<vmem>>
          %dma_start3A_152 = arith.constant 0 : i32
          %dma_start3A_153 = arith.constant 0 : i32
          %dma_start3A_154 = tpu.memref_slice %arg12[%dma_start3A_152, %dma_start3A_153] : memref<10112x128xf32, #tpu.memory_space<vmem_shared>> -> memref<10112x128xf32, #tpu.memory_space<vmem_shared>>
          tpu.enqueue_indirect_dma source(%arg10 : memref<80x128xf32, #tpu.memory_space<vmem>>) target(%dma_start3A_154 : memref<10112x128xf32, #tpu.memory_space<vmem_shared>>) offsets(%dma_start3A_151 : memref<80xi32, #tpu.memory_space<vmem>>) semaphore(%run_scoped3A_148 : memref<!tpu.dma_semaphore, #tpu.memory_space<semaphore_mem>>) {add = true}
          %dma_wait3A_155 = arith.constant 0 : i32
          %dma_wait3A_156 = tpu.memref_slice %arg8[%run_scoped3A_127, %dma_wait3A_155] : memref<2x80xi32, #tpu.memory_space<vmem>> -> memref<1x80xi32, #tpu.memory_space<vmem>>
          %dma_wait3A_157 = tpu.memref_squeeze %dma_wait3A_156 : memref<1x80xi32, #tpu.memory_space<vmem>> -> memref<80xi32, #tpu.memory_space<vmem>>
          %dma_wait3A_158 = arith.constant 0 : i32
          %dma_wait3A_159 = arith.constant 0 : i32
          %dma_wait3A_160 = tpu.memref_slice %arg12[%dma_wait3A_158, %dma_wait3A_159] : memref<10112x128xf32, #tpu.memory_space<vmem_shared>> -> memref<10112x128xf32, #tpu.memory_space<vmem_shared>>
          tpu.wait_indirect_dma semaphore(%run_scoped3A_148 : memref<!tpu.dma_semaphore, #tpu.memory_space<semaphore_mem>>) src(%arg10 : memref<80x128xf32, #tpu.memory_space<vmem>>) dst(%dma_wait3A_160 : memref<10112x128xf32, #tpu.memory_space<vmem_shared>>)
          tpu.yield
        }) : () -> ()
        %get3A_128 = arith.constant 1 : i32
        %get3A_129 = arith.index_cast %get3A_128 : i32 to index
        %get3A_130 = arith.constant 0 : index
        %get3A_131 = tpu.vector_load %arg8[%get3A_129, %get3A_130] {strides = array<i32>} : memref<2x80xi32, #tpu.memory_space<vmem>>, vector<16xi32>,
        tpu.vector_store_idx %arg11[%get3A_131], %broadcast_in_dim3A_2 {add = true} : memref<10112xf32, #tpu.memory_space<vmem>>[vector<16xi32>], vector<16xf32>,
        %get3A_132 = arith.constant 1 : i32
        %get3A_133 = arith.index_cast %get3A_132 : i32 to index
        %get3A_134 = arith.constant 16 : index
        %get3A_135 = tpu.vector_load %arg8[%get3A_133, %get3A_134] {strides = array<i32>} : memref<2x80xi32, #tpu.memory_space<vmem>>, vector<16xi32>,
        tpu.vector_store_idx %arg11[%get3A_135], %broadcast_in_dim3A_2 {add = true} : memref<10112xf32, #tpu.memory_space<vmem>>[vector<16xi32>], vector<16xf32>,
        %get3A_136 = arith.constant 1 : i32
        %get3A_137 = arith.index_cast %get3A_136 : i32 to index
        %get3A_138 = arith.constant 32 : index
        %get3A_139 = tpu.vector_load %arg8[%get3A_137, %get3A_138] {strides = array<i32>} : memref<2x80xi32, #tpu.memory_space<vmem>>, vector<16xi32>,
        tpu.vector_store_idx %arg11[%get3A_139], %broadcast_in_dim3A_2 {add = true} : memref<10112xf32, #tpu.memory_space<vmem>>[vector<16xi32>], vector<16xf32>,
        %get3A_140 = arith.constant 1 : i32
        %get3A_141 = arith.index_cast %get3A_140 : i32 to index
        %get3A_142 = arith.constant 48 : index
        %get3A_143 = tpu.vector_load %arg8[%get3A_141, %get3A_142] {strides = array<i32>} : memref<2x80xi32, #tpu.memory_space<vmem>>, vector<16xi32>,
        tpu.vector_store_idx %arg11[%get3A_143], %broadcast_in_dim3A_2 {add = true} : memref<10112xf32, #tpu.memory_space<vmem>>[vector<16xi32>], vector<16xf32>,
        %get3A_144 = arith.constant 1 : i32
        %get3A_145 = arith.index_cast %get3A_144 : i32 to index
        %get3A_146 = arith.constant 64 : index
        %get3A_147 = tpu.vector_load %arg8[%get3A_145, %get3A_146] {strides = array<i32>} : memref<2x80xi32, #tpu.memory_space<vmem>>, vector<16xi32>,
        tpu.vector_store_idx %arg11[%get3A_147], %broadcast_in_dim3A_2 {add = true} : memref<10112xf32, #tpu.memory_space<vmem>>[vector<16xi32>], vector<16xf32>,
      }
      %scan3A_66 = arith.constant 63 : i32
    } else {
    }
    %ne3A = arith.constant 0 : i32
    %ne3A_44 = arith.cmpi ne, %arg0, %ne3A : i32
    %convert_element_type3A_45 = arith.extui %ne3A_44 : i1 to i32
    %cond3A_46 = arith.constant 0 : i32
    %cond3A_47 = arith.cmpi ne, %convert_element_type3A_45, %cond3A_46 : i32
    scf.if %cond3A_47 {
      %mul3A_53 = arith.constant 9920 : i32
      %mul3A_54 = arith.muli %arg1, %mul3A_53 : i32
      %add3A_55 = arith.constant 161280 : i32
      %add3A_56 = arith.addi %add3A_55, %mul3A_54 : i32
      %run_scoped3A = arith.constant 0 : i32
      "tpu.region"() ({
        %run_scoped3A_69 = tpu.sem_alloc : memref<!tpu.dma_semaphore, #tpu.memory_space<semaphore_mem>>
        %dma_start3A_70 = arith.constant 0 : i32
        %dma_start3A_71 = tpu.memref_slice %arg7[%run_scoped3A, %dma_start3A_70] : memref<2x80xi32, #tpu.memory_space<vmem>> -> memref<1x80xi32, #tpu.memory_space<vmem>>
        %dma_start3A_72 = tpu.memref_squeeze %dma_start3A_71 : memref<1x80xi32, #tpu.memory_space<vmem>> -> memref<80xi32, #tpu.memory_space<vmem>>
        %dma_start3A_73 = tpu.memref_slice %arg3[%add3A_56] : memref<320000xi32, #tpu.memory_space<hbm>> -> memref<80xi32, #tpu.memory_space<hbm>>
        %dma_start3A_74 = arith.constant 0 : i32
        %dma_start3A_75 = tpu.memref_slice %arg7[%run_scoped3A, %dma_start3A_74] : memref<2x80xi32, #tpu.memory_space<vmem>> -> memref<1x80xi32, #tpu.memory_space<vmem>>
        %dma_start3A_76 = tpu.memref_squeeze %dma_start3A_75 : memref<1x80xi32, #tpu.memory_space<vmem>> -> memref<80xi32, #tpu.memory_space<vmem>>
        %dma_start3A_77 = tpu.memref_slice %arg3[%add3A_56] : memref<320000xi32, #tpu.memory_space<hbm>> -> memref<80xi32, #tpu.memory_space<hbm>>
        tpu.enqueue_dma source(%dma_start3A_77 : memref<80xi32, #tpu.memory_space<hbm>>) target(%dma_start3A_76 : memref<80xi32, #tpu.memory_space<vmem>>) target_semaphore(%run_scoped3A_69 : memref<!tpu.dma_semaphore, #tpu.memory_space<semaphore_mem>>)
        %dma_wait3A = arith.constant 0 : i32
        %dma_wait3A_78 = tpu.memref_slice %arg7[%run_scoped3A, %dma_wait3A] : memref<2x80xi32, #tpu.memory_space<vmem>> -> memref<1x80xi32, #tpu.memory_space<vmem>>
        %dma_wait3A_79 = tpu.memref_squeeze %dma_wait3A_78 : memref<1x80xi32, #tpu.memory_space<vmem>> -> memref<80xi32, #tpu.memory_space<vmem>>
        %dma_wait3A_80 = tpu.memref_slice %arg3[%add3A_56] : memref<320000xi32, #tpu.memory_space<hbm>> -> memref<80xi32, #tpu.memory_space<hbm>>
        %dma_wait3A_81 = arith.constant 0 : i32
        %dma_wait3A_82 = tpu.memref_slice %arg7[%run_scoped3A, %dma_wait3A_81] : memref<2x80xi32, #tpu.memory_space<vmem>> -> memref<1x80xi32, #tpu.memory_space<vmem>>
        %dma_wait3A_83 = tpu.memref_squeeze %dma_wait3A_82 : memref<1x80xi32, #tpu.memory_space<vmem>> -> memref<80xi32, #tpu.memory_space<vmem>>
        %dma_wait3A_84 = tpu.memref_slice %arg3[%add3A_56] : memref<320000xi32, #tpu.memory_space<hbm>> -> memref<80xi32, #tpu.memory_space<hbm>>
        tpu.wait_dma2 semaphore(%run_scoped3A_69 : memref<!tpu.dma_semaphore, #tpu.memory_space<semaphore_mem>>) src(%dma_wait3A_84 : memref<80xi32, #tpu.memory_space<hbm>>) dst(%dma_wait3A_83 : memref<80xi32, #tpu.memory_space<vmem>>)
        tpu.yield
      }) : () -> ()
      %run_scoped3A_57 = arith.constant 0 : i32
      "tpu.region"() ({
        %run_scoped3A_69 = tpu.sem_alloc : memref<!tpu.dma_semaphore, #tpu.memory_space<semaphore_mem>>
        %dma_start3A_70 = arith.constant 0 : i32
        %dma_start3A_71 = tpu.memref_slice %arg8[%run_scoped3A_57, %dma_start3A_70] : memref<2x80xi32, #tpu.memory_space<vmem>> -> memref<1x80xi32, #tpu.memory_space<vmem>>
        %dma_start3A_72 = tpu.memref_squeeze %dma_start3A_71 : memref<1x80xi32, #tpu.memory_space<vmem>> -> memref<80xi32, #tpu.memory_space<vmem>>
        %dma_start3A_73 = tpu.memref_slice %arg4[%add3A_56] : memref<320000xi32, #tpu.memory_space<hbm>> -> memref<80xi32, #tpu.memory_space<hbm>>
        %dma_start3A_74 = arith.constant 0 : i32
        %dma_start3A_75 = tpu.memref_slice %arg8[%run_scoped3A_57, %dma_start3A_74] : memref<2x80xi32, #tpu.memory_space<vmem>> -> memref<1x80xi32, #tpu.memory_space<vmem>>
        %dma_start3A_76 = tpu.memref_squeeze %dma_start3A_75 : memref<1x80xi32, #tpu.memory_space<vmem>> -> memref<80xi32, #tpu.memory_space<vmem>>
        %dma_start3A_77 = tpu.memref_slice %arg4[%add3A_56] : memref<320000xi32, #tpu.memory_space<hbm>> -> memref<80xi32, #tpu.memory_space<hbm>>
        tpu.enqueue_dma source(%dma_start3A_77 : memref<80xi32, #tpu.memory_space<hbm>>) target(%dma_start3A_76 : memref<80xi32, #tpu.memory_space<vmem>>) target_semaphore(%run_scoped3A_69 : memref<!tpu.dma_semaphore, #tpu.memory_space<semaphore_mem>>)
        %dma_wait3A = arith.constant 0 : i32
        %dma_wait3A_78 = tpu.memref_slice %arg8[%run_scoped3A_57, %dma_wait3A] : memref<2x80xi32, #tpu.memory_space<vmem>> -> memref<1x80xi32, #tpu.memory_space<vmem>>
        %dma_wait3A_79 = tpu.memref_squeeze %dma_wait3A_78 : memref<1x80xi32, #tpu.memory_space<vmem>> -> memref<80xi32, #tpu.memory_space<vmem>>
        %dma_wait3A_80 = tpu.memref_slice %arg4[%add3A_56] : memref<320000xi32, #tpu.memory_space<hbm>> -> memref<80xi32, #tpu.memory_space<hbm>>
        %dma_wait3A_81 = arith.constant 0 : i32
        %dma_wait3A_82 = tpu.memref_slice %arg8[%run_scoped3A_57, %dma_wait3A_81] : memref<2x80xi32, #tpu.memory_space<vmem>> -> memref<1x80xi32, #tpu.memory_space<vmem>>
        %dma_wait3A_83 = tpu.memref_squeeze %dma_wait3A_82 : memref<1x80xi32, #tpu.memory_space<vmem>> -> memref<80xi32, #tpu.memory_space<vmem>>
        %dma_wait3A_84 = tpu.memref_slice %arg4[%add3A_56] : memref<320000xi32, #tpu.memory_space<hbm>> -> memref<80xi32, #tpu.memory_space<hbm>>
        tpu.wait_dma2 semaphore(%run_scoped3A_69 : memref<!tpu.dma_semaphore, #tpu.memory_space<semaphore_mem>>) src(%dma_wait3A_84 : memref<80xi32, #tpu.memory_space<hbm>>) dst(%dma_wait3A_83 : memref<80xi32, #tpu.memory_space<vmem>>)
        tpu.yield
      }) : () -> ()
      %dma_start3A = arith.constant 0 : i32
      %dma_start3A_58 = arith.constant 0 : i32
      %dma_start3A_59 = tpu.memref_slice %arg7[%dma_start3A, %dma_start3A_58] : memref<2x80xi32, #tpu.memory_space<vmem>> -> memref<1x80xi32, #tpu.memory_space<vmem>>
      %dma_start3A_60 = tpu.memref_squeeze %dma_start3A_59 : memref<1x80xi32, #tpu.memory_space<vmem>> -> memref<80xi32, #tpu.memory_space<vmem>>
      %dma_start3A_61 = arith.constant 0 : i32
      %dma_start3A_62 = arith.constant 0 : i32
      %dma_start3A_63 = tpu.memref_slice %arg2[%dma_start3A_61, %dma_start3A_62] : memref<10000x128xf32, #tpu.memory_space<hbm>> -> memref<10000x128xf32, #tpu.memory_space<hbm>>
      tpu.enqueue_indirect_dma source(%dma_start3A_63 : memref<10000x128xf32, #tpu.memory_space<hbm>>) target(%arg9 : memref<80x128xf32, #tpu.memory_space<vmem>>) offsets(%dma_start3A_60 : memref<80xi32, #tpu.memory_space<vmem>>) semaphore(%arg13 : memref<!tpu.dma_semaphore, #tpu.memory_space<semaphore_mem>>)
      %scan3A_64 = arith.constant 0 : i32
      %scan3A_65 = arith.constant 62 : i32
      %scan3A_66 = arith.addi %scan3A_64, %scan3A_65 : i32
      %scan3A_67 = arith.constant 1 : i32
      scf.for %scan3A_69 = %scan3A_64 to %scan3A_66 step %scan3A_67  : i32 {
        %mul3A_70 = arith.constant 1 : i32
        %mul3A_71 = arith.muli %scan3A_69, %mul3A_70 : i32
        %add3A_72 = arith.constant 0 : i32
        %add3A_73 = arith.addi %add3A_72, %mul3A_71 : i32
        %mul3A_74 = arith.constant 2 : i32
        %mul3A_75 = arith.muli %add3A_73, %mul3A_74 : i32
        %add3A_76 = arith.constant 1 : i32
        %add3A_77 = arith.addi %mul3A_75, %add3A_76 : i32
        %mul3A_78 = arith.constant 80 : i32
        %mul3A_79 = arith.muli %add3A_77, %mul3A_78 : i32
        %add3A_80 = arith.addi %add3A_56, %mul3A_79 : i32
        %run_scoped3A_81 = arith.constant 1 : i32
        "tpu.region"() ({
          %run_scoped3A_150 = tpu.sem_alloc : memref<!tpu.dma_semaphore, #tpu.memory_space<semaphore_mem>>
          %dma_start3A_151 = arith.constant 0 : i32
          %dma_start3A_152 = tpu.memref_slice %arg7[%run_scoped3A_81, %dma_start3A_151] : memref<2x80xi32, #tpu.memory_space<vmem>> -> memref<1x80xi32, #tpu.memory_space<vmem>>
          %dma_start3A_153 = tpu.memref_squeeze %dma_start3A_152 : memref<1x80xi32, #tpu.memory_space<vmem>> -> memref<80xi32, #tpu.memory_space<vmem>>
          %dma_start3A_154 = tpu.memref_slice %arg3[%add3A_80] : memref<320000xi32, #tpu.memory_space<hbm>> -> memref<80xi32, #tpu.memory_space<hbm>>
          %dma_start3A_155 = arith.constant 0 : i32
          %dma_start3A_156 = tpu.memref_slice %arg7[%run_scoped3A_81, %dma_start3A_155] : memref<2x80xi32, #tpu.memory_space<vmem>> -> memref<1x80xi32, #tpu.memory_space<vmem>>
          %dma_start3A_157 = tpu.memref_squeeze %dma_start3A_156 : memref<1x80xi32, #tpu.memory_space<vmem>> -> memref<80xi32, #tpu.memory_space<vmem>>
          %dma_start3A_158 = tpu.memref_slice %arg3[%add3A_80] : memref<320000xi32, #tpu.memory_space<hbm>> -> memref<80xi32, #tpu.memory_space<hbm>>
          tpu.enqueue_dma source(%dma_start3A_158 : memref<80xi32, #tpu.memory_space<hbm>>) target(%dma_start3A_157 : memref<80xi32, #tpu.memory_space<vmem>>) target_semaphore(%run_scoped3A_150 : memref<!tpu.dma_semaphore, #tpu.memory_space<semaphore_mem>>)
          %dma_wait3A_159 = arith.constant 0 : i32
          %dma_wait3A_160 = tpu.memref_slice %arg7[%run_scoped3A_81, %dma_wait3A_159] : memref<2x80xi32, #tpu.memory_space<vmem>> -> memref<1x80xi32, #tpu.memory_space<vmem>>
          %dma_wait3A_161 = tpu.memref_squeeze %dma_wait3A_160 : memref<1x80xi32, #tpu.memory_space<vmem>> -> memref<80xi32, #tpu.memory_space<vmem>>
          %dma_wait3A_162 = tpu.memref_slice %arg3[%add3A_80] : memref<320000xi32, #tpu.memory_space<hbm>> -> memref<80xi32, #tpu.memory_space<hbm>>
          %dma_wait3A_163 = arith.constant 0 : i32
          %dma_wait3A_164 = tpu.memref_slice %arg7[%run_scoped3A_81, %dma_wait3A_163] : memref<2x80xi32, #tpu.memory_space<vmem>> -> memref<1x80xi32, #tpu.memory_space<vmem>>
          %dma_wait3A_165 = tpu.memref_squeeze %dma_wait3A_164 : memref<1x80xi32, #tpu.memory_space<vmem>> -> memref<80xi32, #tpu.memory_space<vmem>>
          %dma_wait3A_166 = tpu.memref_slice %arg3[%add3A_80] : memref<320000xi32, #tpu.memory_space<hbm>> -> memref<80xi32, #tpu.memory_space<hbm>>
          tpu.wait_dma2 semaphore(%run_scoped3A_150 : memref<!tpu.dma_semaphore, #tpu.memory_space<semaphore_mem>>) src(%dma_wait3A_166 : memref<80xi32, #tpu.memory_space<hbm>>) dst(%dma_wait3A_165 : memref<80xi32, #tpu.memory_space<vmem>>)
          tpu.yield
        }) : () -> ()
        %run_scoped3A_82 = arith.constant 1 : i32
        "tpu.region"() ({
          %run_scoped3A_150 = tpu.sem_alloc : memref<!tpu.dma_semaphore, #tpu.memory_space<semaphore_mem>>
          %dma_start3A_151 = arith.constant 0 : i32
          %dma_start3A_152 = tpu.memref_slice %arg8[%run_scoped3A_82, %dma_start3A_151] : memref<2x80xi32, #tpu.memory_space<vmem>> -> memref<1x80xi32, #tpu.memory_space<vmem>>
          %dma_start3A_153 = tpu.memref_squeeze %dma_start3A_152 : memref<1x80xi32, #tpu.memory_space<vmem>> -> memref<80xi32, #tpu.memory_space<vmem>>
          %dma_start3A_154 = tpu.memref_slice %arg4[%add3A_80] : memref<320000xi32, #tpu.memory_space<hbm>> -> memref<80xi32, #tpu.memory_space<hbm>>
          %dma_start3A_155 = arith.constant 0 : i32
          %dma_start3A_156 = tpu.memref_slice %arg8[%run_scoped3A_82, %dma_start3A_155] : memref<2x80xi32, #tpu.memory_space<vmem>> -> memref<1x80xi32, #tpu.memory_space<vmem>>
          %dma_start3A_157 = tpu.memref_squeeze %dma_start3A_156 : memref<1x80xi32, #tpu.memory_space<vmem>> -> memref<80xi32, #tpu.memory_space<vmem>>
          %dma_start3A_158 = tpu.memref_slice %arg4[%add3A_80] : memref<320000xi32, #tpu.memory_space<hbm>> -> memref<80xi32, #tpu.memory_space<hbm>>
          tpu.enqueue_dma source(%dma_start3A_158 : memref<80xi32, #tpu.memory_space<hbm>>) target(%dma_start3A_157 : memref<80xi32, #tpu.memory_space<vmem>>) target_semaphore(%run_scoped3A_150 : memref<!tpu.dma_semaphore, #tpu.memory_space<semaphore_mem>>)
          %dma_wait3A_159 = arith.constant 0 : i32
          %dma_wait3A_160 = tpu.memref_slice %arg8[%run_scoped3A_82, %dma_wait3A_159] : memref<2x80xi32, #tpu.memory_space<vmem>> -> memref<1x80xi32, #tpu.memory_space<vmem>>
          %dma_wait3A_161 = tpu.memref_squeeze %dma_wait3A_160 : memref<1x80xi32, #tpu.memory_space<vmem>> -> memref<80xi32, #tpu.memory_space<vmem>>
          %dma_wait3A_162 = tpu.memref_slice %arg4[%add3A_80] : memref<320000xi32, #tpu.memory_space<hbm>> -> memref<80xi32, #tpu.memory_space<hbm>>
          %dma_wait3A_163 = arith.constant 0 : i32
          %dma_wait3A_164 = tpu.memref_slice %arg8[%run_scoped3A_82, %dma_wait3A_163] : memref<2x80xi32, #tpu.memory_space<vmem>> -> memref<1x80xi32, #tpu.memory_space<vmem>>
          %dma_wait3A_165 = tpu.memref_squeeze %dma_wait3A_164 : memref<1x80xi32, #tpu.memory_space<vmem>> -> memref<80xi32, #tpu.memory_space<vmem>>
          %dma_wait3A_166 = tpu.memref_slice %arg4[%add3A_80] : memref<320000xi32, #tpu.memory_space<hbm>> -> memref<80xi32, #tpu.memory_space<hbm>>
          tpu.wait_dma2 semaphore(%run_scoped3A_150 : memref<!tpu.dma_semaphore, #tpu.memory_space<semaphore_mem>>) src(%dma_wait3A_166 : memref<80xi32, #tpu.memory_space<hbm>>) dst(%dma_wait3A_165 : memref<80xi32, #tpu.memory_space<vmem>>)
          tpu.yield
        }) : () -> ()
        %dma_start3A_83 = arith.constant 1 : i32
        %dma_start3A_84 = arith.constant 0 : i32
        %dma_start3A_85 = tpu.memref_slice %arg7[%dma_start3A_83, %dma_start3A_84] : memref<2x80xi32, #tpu.memory_space<vmem>> -> memref<1x80xi32, #tpu.memory_space<vmem>>
        %dma_start3A_86 = tpu.memref_squeeze %dma_start3A_85 : memref<1x80xi32, #tpu.memory_space<vmem>> -> memref<80xi32, #tpu.memory_space<vmem>>
        %dma_start3A_87 = arith.constant 0 : i32
        %dma_start3A_88 = arith.constant 0 : i32
        %dma_start3A_89 = tpu.memref_slice %arg2[%dma_start3A_87, %dma_start3A_88] : memref<10000x128xf32, #tpu.memory_space<hbm>> -> memref<10000x128xf32, #tpu.memory_space<hbm>>
        tpu.enqueue_indirect_dma source(%dma_start3A_89 : memref<10000x128xf32, #tpu.memory_space<hbm>>) target(%arg10 : memref<80x128xf32, #tpu.memory_space<vmem>>) offsets(%dma_start3A_86 : memref<80xi32, #tpu.memory_space<vmem>>) semaphore(%arg14 : memref<!tpu.dma_semaphore, #tpu.memory_space<semaphore_mem>>)
        %dma_wait3A = arith.constant 0 : i32
        %dma_wait3A_90 = arith.constant 0 : i32
        %dma_wait3A_91 = tpu.memref_slice %arg7[%dma_wait3A, %dma_wait3A_90] : memref<2x80xi32, #tpu.memory_space<vmem>> -> memref<1x80xi32, #tpu.memory_space<vmem>>
        %dma_wait3A_92 = tpu.memref_squeeze %dma_wait3A_91 : memref<1x80xi32, #tpu.memory_space<vmem>> -> memref<80xi32, #tpu.memory_space<vmem>>
        %dma_wait3A_93 = arith.constant 0 : i32
        %dma_wait3A_94 = arith.constant 0 : i32
        %dma_wait3A_95 = tpu.memref_slice %arg2[%dma_wait3A_93, %dma_wait3A_94] : memref<10000x128xf32, #tpu.memory_space<hbm>> -> memref<10000x128xf32, #tpu.memory_space<hbm>>
        tpu.wait_indirect_dma semaphore(%arg13 : memref<!tpu.dma_semaphore, #tpu.memory_space<semaphore_mem>>) src(%dma_wait3A_95 : memref<10000x128xf32, #tpu.memory_space<hbm>>) dst(%arg9 : memref<80x128xf32, #tpu.memory_space<vmem>>)
        %run_scoped3A_96 = arith.constant 0 : i32
        "tpu.region"() ({
          %run_scoped3A_150 = tpu.sem_alloc : memref<!tpu.dma_semaphore, #tpu.memory_space<semaphore_mem>>
          %dma_start3A_151 = arith.constant 0 : i32
          %dma_start3A_152 = tpu.memref_slice %arg8[%run_scoped3A_96, %dma_start3A_151] : memref<2x80xi32, #tpu.memory_space<vmem>> -> memref<1x80xi32, #tpu.memory_space<vmem>>
          %dma_start3A_153 = tpu.memref_squeeze %dma_start3A_152 : memref<1x80xi32, #tpu.memory_space<vmem>> -> memref<80xi32, #tpu.memory_space<vmem>>
          %dma_start3A_154 = arith.constant 0 : i32
          %dma_start3A_155 = arith.constant 0 : i32
          %dma_start3A_156 = tpu.memref_slice %arg12[%dma_start3A_154, %dma_start3A_155] : memref<10112x128xf32, #tpu.memory_space<vmem_shared>> -> memref<10112x128xf32, #tpu.memory_space<vmem_shared>>
          tpu.enqueue_indirect_dma source(%arg9 : memref<80x128xf32, #tpu.memory_space<vmem>>) target(%dma_start3A_156 : memref<10112x128xf32, #tpu.memory_space<vmem_shared>>) offsets(%dma_start3A_153 : memref<80xi32, #tpu.memory_space<vmem>>) semaphore(%run_scoped3A_150 : memref<!tpu.dma_semaphore, #tpu.memory_space<semaphore_mem>>) {add = true}
          %dma_wait3A_157 = arith.constant 0 : i32
          %dma_wait3A_158 = tpu.memref_slice %arg8[%run_scoped3A_96, %dma_wait3A_157] : memref<2x80xi32, #tpu.memory_space<vmem>> -> memref<1x80xi32, #tpu.memory_space<vmem>>
          %dma_wait3A_159 = tpu.memref_squeeze %dma_wait3A_158 : memref<1x80xi32, #tpu.memory_space<vmem>> -> memref<80xi32, #tpu.memory_space<vmem>>
          %dma_wait3A_160 = arith.constant 0 : i32
          %dma_wait3A_161 = arith.constant 0 : i32
          %dma_wait3A_162 = tpu.memref_slice %arg12[%dma_wait3A_160, %dma_wait3A_161] : memref<10112x128xf32, #tpu.memory_space<vmem_shared>> -> memref<10112x128xf32, #tpu.memory_space<vmem_shared>>
          tpu.wait_indirect_dma semaphore(%run_scoped3A_150 : memref<!tpu.dma_semaphore, #tpu.memory_space<semaphore_mem>>) src(%arg9 : memref<80x128xf32, #tpu.memory_space<vmem>>) dst(%dma_wait3A_162 : memref<10112x128xf32, #tpu.memory_space<vmem_shared>>)
          tpu.yield
        }) : () -> ()
        %get3A = arith.constant 0 : i32
        %get3A_97 = arith.index_cast %get3A : i32 to index
        %get3A_98 = arith.constant 0 : index
        %get3A_99 = tpu.vector_load %arg8[%get3A_97, %get3A_98] {strides = array<i32>} : memref<2x80xi32, #tpu.memory_space<vmem>>, vector<16xi32>,
        tpu.vector_store_idx %arg11[%get3A_99], %broadcast_in_dim3A_2 {add = true} : memref<10112xf32, #tpu.memory_space<vmem>>[vector<16xi32>], vector<16xf32>,
        %get3A_100 = arith.constant 0 : i32
        %get3A_101 = arith.index_cast %get3A_100 : i32 to index
        %get3A_102 = arith.constant 16 : index
        %get3A_103 = tpu.vector_load %arg8[%get3A_101, %get3A_102] {strides = array<i32>} : memref<2x80xi32, #tpu.memory_space<vmem>>, vector<16xi32>,
        tpu.vector_store_idx %arg11[%get3A_103], %broadcast_in_dim3A_2 {add = true} : memref<10112xf32, #tpu.memory_space<vmem>>[vector<16xi32>], vector<16xf32>,
        %get3A_104 = arith.constant 0 : i32
        %get3A_105 = arith.index_cast %get3A_104 : i32 to index
        %get3A_106 = arith.constant 32 : index
        %get3A_107 = tpu.vector_load %arg8[%get3A_105, %get3A_106] {strides = array<i32>} : memref<2x80xi32, #tpu.memory_space<vmem>>, vector<16xi32>,
        tpu.vector_store_idx %arg11[%get3A_107], %broadcast_in_dim3A_2 {add = true} : memref<10112xf32, #tpu.memory_space<vmem>>[vector<16xi32>], vector<16xf32>,
        %get3A_108 = arith.constant 0 : i32
        %get3A_109 = arith.index_cast %get3A_108 : i32 to index
        %get3A_110 = arith.constant 48 : index
        %get3A_111 = tpu.vector_load %arg8[%get3A_109, %get3A_110] {strides = array<i32>} : memref<2x80xi32, #tpu.memory_space<vmem>>, vector<16xi32>,
        tpu.vector_store_idx %arg11[%get3A_111], %broadcast_in_dim3A_2 {add = true} : memref<10112xf32, #tpu.memory_space<vmem>>[vector<16xi32>], vector<16xf32>,
        %get3A_112 = arith.constant 0 : i32
        %get3A_113 = arith.index_cast %get3A_112 : i32 to index
        %get3A_114 = arith.constant 64 : index
        %get3A_115 = tpu.vector_load %arg8[%get3A_113, %get3A_114] {strides = array<i32>} : memref<2x80xi32, #tpu.memory_space<vmem>>, vector<16xi32>,
        tpu.vector_store_idx %arg11[%get3A_115], %broadcast_in_dim3A_2 {add = true} : memref<10112xf32, #tpu.memory_space<vmem>>[vector<16xi32>], vector<16xf32>,
        %add3A_116 = arith.constant 2 : i32
        %add3A_117 = arith.addi %mul3A_75, %add3A_116 : i32
        %lt3A = arith.constant 124 : i32
        %lt3A_118 = arith.cmpi slt, %add3A_117, %lt3A : i32
        %convert_element_type3A_119 = arith.extui %lt3A_118 : i1 to i32
        %cond3A_120 = arith.constant 0 : i32
        %cond3A_121 = arith.cmpi ne, %convert_element_type3A_119, %cond3A_120 : i32
        scf.if %cond3A_121 {
          %add3A_150 = arith.constant 2 : i32
          %add3A_151 = arith.addi %mul3A_75, %add3A_150 : i32
          %mul3A_152 = arith.constant 80 : i32
          %mul3A_153 = arith.muli %add3A_151, %mul3A_152 : i32
          %add3A_154 = arith.addi %add3A_56, %mul3A_153 : i32
          %run_scoped3A_155 = arith.constant 0 : i32
          "tpu.region"() ({
            %run_scoped3A_164 = tpu.sem_alloc : memref<!tpu.dma_semaphore, #tpu.memory_space<semaphore_mem>>
            %dma_start3A_165 = arith.constant 0 : i32
            %dma_start3A_166 = tpu.memref_slice %arg7[%run_scoped3A_155, %dma_start3A_165] : memref<2x80xi32, #tpu.memory_space<vmem>> -> memref<1x80xi32, #tpu.memory_space<vmem>>
            %dma_start3A_167 = tpu.memref_squeeze %dma_start3A_166 : memref<1x80xi32, #tpu.memory_space<vmem>> -> memref<80xi32, #tpu.memory_space<vmem>>
            %dma_start3A_168 = tpu.memref_slice %arg3[%add3A_154] : memref<320000xi32, #tpu.memory_space<hbm>> -> memref<80xi32, #tpu.memory_space<hbm>>
            %dma_start3A_169 = arith.constant 0 : i32
            %dma_start3A_170 = tpu.memref_slice %arg7[%run_scoped3A_155, %dma_start3A_169] : memref<2x80xi32, #tpu.memory_space<vmem>> -> memref<1x80xi32, #tpu.memory_space<vmem>>
            %dma_start3A_171 = tpu.memref_squeeze %dma_start3A_170 : memref<1x80xi32, #tpu.memory_space<vmem>> -> memref<80xi32, #tpu.memory_space<vmem>>
            %dma_start3A_172 = tpu.memref_slice %arg3[%add3A_154] : memref<320000xi32, #tpu.memory_space<hbm>> -> memref<80xi32, #tpu.memory_space<hbm>>
            tpu.enqueue_dma source(%dma_start3A_172 : memref<80xi32, #tpu.memory_space<hbm>>) target(%dma_start3A_171 : memref<80xi32, #tpu.memory_space<vmem>>) target_semaphore(%run_scoped3A_164 : memref<!tpu.dma_semaphore, #tpu.memory_space<semaphore_mem>>)
            %dma_wait3A_173 = arith.constant 0 : i32
            %dma_wait3A_174 = tpu.memref_slice %arg7[%run_scoped3A_155, %dma_wait3A_173] : memref<2x80xi32, #tpu.memory_space<vmem>> -> memref<1x80xi32, #tpu.memory_space<vmem>>
            %dma_wait3A_175 = tpu.memref_squeeze %dma_wait3A_174 : memref<1x80xi32, #tpu.memory_space<vmem>> -> memref<80xi32, #tpu.memory_space<vmem>>
            %dma_wait3A_176 = tpu.memref_slice %arg3[%add3A_154] : memref<320000xi32, #tpu.memory_space<hbm>> -> memref<80xi32, #tpu.memory_space<hbm>>
            %dma_wait3A_177 = arith.constant 0 : i32
            %dma_wait3A_178 = tpu.memref_slice %arg7[%run_scoped3A_155, %dma_wait3A_177] : memref<2x80xi32, #tpu.memory_space<vmem>> -> memref<1x80xi32, #tpu.memory_space<vmem>>
            %dma_wait3A_179 = tpu.memref_squeeze %dma_wait3A_178 : memref<1x80xi32, #tpu.memory_space<vmem>> -> memref<80xi32, #tpu.memory_space<vmem>>
            %dma_wait3A_180 = tpu.memref_slice %arg3[%add3A_154] : memref<320000xi32, #tpu.memory_space<hbm>> -> memref<80xi32, #tpu.memory_space<hbm>>
            tpu.wait_dma2 semaphore(%run_scoped3A_164 : memref<!tpu.dma_semaphore, #tpu.memory_space<semaphore_mem>>) src(%dma_wait3A_180 : memref<80xi32, #tpu.memory_space<hbm>>) dst(%dma_wait3A_179 : memref<80xi32, #tpu.memory_space<vmem>>)
            tpu.yield
          }) : () -> ()
          %run_scoped3A_156 = arith.constant 0 : i32
          "tpu.region"() ({
            %run_scoped3A_164 = tpu.sem_alloc : memref<!tpu.dma_semaphore, #tpu.memory_space<semaphore_mem>>
            %dma_start3A_165 = arith.constant 0 : i32
            %dma_start3A_166 = tpu.memref_slice %arg8[%run_scoped3A_156, %dma_start3A_165] : memref<2x80xi32, #tpu.memory_space<vmem>> -> memref<1x80xi32, #tpu.memory_space<vmem>>
            %dma_start3A_167 = tpu.memref_squeeze %dma_start3A_166 : memref<1x80xi32, #tpu.memory_space<vmem>> -> memref<80xi32, #tpu.memory_space<vmem>>
            %dma_start3A_168 = tpu.memref_slice %arg4[%add3A_154] : memref<320000xi32, #tpu.memory_space<hbm>> -> memref<80xi32, #tpu.memory_space<hbm>>
            %dma_start3A_169 = arith.constant 0 : i32
            %dma_start3A_170 = tpu.memref_slice %arg8[%run_scoped3A_156, %dma_start3A_169] : memref<2x80xi32, #tpu.memory_space<vmem>> -> memref<1x80xi32, #tpu.memory_space<vmem>>
            %dma_start3A_171 = tpu.memref_squeeze %dma_start3A_170 : memref<1x80xi32, #tpu.memory_space<vmem>> -> memref<80xi32, #tpu.memory_space<vmem>>
            %dma_start3A_172 = tpu.memref_slice %arg4[%add3A_154] : memref<320000xi32, #tpu.memory_space<hbm>> -> memref<80xi32, #tpu.memory_space<hbm>>
            tpu.enqueue_dma source(%dma_start3A_172 : memref<80xi32, #tpu.memory_space<hbm>>) target(%dma_start3A_171 : memref<80xi32, #tpu.memory_space<vmem>>) target_semaphore(%run_scoped3A_164 : memref<!tpu.dma_semaphore, #tpu.memory_space<semaphore_mem>>)
            %dma_wait3A_173 = arith.constant 0 : i32
            %dma_wait3A_174 = tpu.memref_slice %arg8[%run_scoped3A_156, %dma_wait3A_173] : memref<2x80xi32, #tpu.memory_space<vmem>> -> memref<1x80xi32, #tpu.memory_space<vmem>>
            %dma_wait3A_175 = tpu.memref_squeeze %dma_wait3A_174 : memref<1x80xi32, #tpu.memory_space<vmem>> -> memref<80xi32, #tpu.memory_space<vmem>>
            %dma_wait3A_176 = tpu.memref_slice %arg4[%add3A_154] : memref<320000xi32, #tpu.memory_space<hbm>> -> memref<80xi32, #tpu.memory_space<hbm>>
            %dma_wait3A_177 = arith.constant 0 : i32
            %dma_wait3A_178 = tpu.memref_slice %arg8[%run_scoped3A_156, %dma_wait3A_177] : memref<2x80xi32, #tpu.memory_space<vmem>> -> memref<1x80xi32, #tpu.memory_space<vmem>>
            %dma_wait3A_179 = tpu.memref_squeeze %dma_wait3A_178 : memref<1x80xi32, #tpu.memory_space<vmem>> -> memref<80xi32, #tpu.memory_space<vmem>>
            %dma_wait3A_180 = tpu.memref_slice %arg4[%add3A_154] : memref<320000xi32, #tpu.memory_space<hbm>> -> memref<80xi32, #tpu.memory_space<hbm>>
            tpu.wait_dma2 semaphore(%run_scoped3A_164 : memref<!tpu.dma_semaphore, #tpu.memory_space<semaphore_mem>>) src(%dma_wait3A_180 : memref<80xi32, #tpu.memory_space<hbm>>) dst(%dma_wait3A_179 : memref<80xi32, #tpu.memory_space<vmem>>)
            tpu.yield
          }) : () -> ()
          %dma_start3A_157 = arith.constant 0 : i32
          %dma_start3A_158 = arith.constant 0 : i32
          %dma_start3A_159 = tpu.memref_slice %arg7[%dma_start3A_157, %dma_start3A_158] : memref<2x80xi32, #tpu.memory_space<vmem>> -> memref<1x80xi32, #tpu.memory_space<vmem>>
          %dma_start3A_160 = tpu.memref_squeeze %dma_start3A_159 : memref<1x80xi32, #tpu.memory_space<vmem>> -> memref<80xi32, #tpu.memory_space<vmem>>
          %dma_start3A_161 = arith.constant 0 : i32
          %dma_start3A_162 = arith.constant 0 : i32
          %dma_start3A_163 = tpu.memref_slice %arg2[%dma_start3A_161, %dma_start3A_162] : memref<10000x128xf32, #tpu.memory_space<hbm>> -> memref<10000x128xf32, #tpu.memory_space<hbm>>
          tpu.enqueue_indirect_dma source(%dma_start3A_163 : memref<10000x128xf32, #tpu.memory_space<hbm>>) target(%arg9 : memref<80x128xf32, #tpu.memory_space<vmem>>) offsets(%dma_start3A_160 : memref<80xi32, #tpu.memory_space<vmem>>) semaphore(%arg13 : memref<!tpu.dma_semaphore, #tpu.memory_space<semaphore_mem>>)
        } else {
        }
        %dma_wait3A_122 = arith.constant 1 : i32
        %dma_wait3A_123 = arith.constant 0 : i32
        %dma_wait3A_124 = tpu.memref_slice %arg7[%dma_wait3A_122, %dma_wait3A_123] : memref<2x80xi32, #tpu.memory_space<vmem>> -> memref<1x80xi32, #tpu.memory_space<vmem>>
        %dma_wait3A_125 = tpu.memref_squeeze %dma_wait3A_124 : memref<1x80xi32, #tpu.memory_space<vmem>> -> memref<80xi32, #tpu.memory_space<vmem>>
        %dma_wait3A_126 = arith.constant 0 : i32
        %dma_wait3A_127 = arith.constant 0 : i32
        %dma_wait3A_128 = tpu.memref_slice %arg2[%dma_wait3A_126, %dma_wait3A_127] : memref<10000x128xf32, #tpu.memory_space<hbm>> -> memref<10000x128xf32, #tpu.memory_space<hbm>>
        tpu.wait_indirect_dma semaphore(%arg14 : memref<!tpu.dma_semaphore, #tpu.memory_space<semaphore_mem>>) src(%dma_wait3A_128 : memref<10000x128xf32, #tpu.memory_space<hbm>>) dst(%arg10 : memref<80x128xf32, #tpu.memory_space<vmem>>)
        %run_scoped3A_129 = arith.constant 1 : i32
        "tpu.region"() ({
          %run_scoped3A_150 = tpu.sem_alloc : memref<!tpu.dma_semaphore, #tpu.memory_space<semaphore_mem>>
          %dma_start3A_151 = arith.constant 0 : i32
          %dma_start3A_152 = tpu.memref_slice %arg8[%run_scoped3A_129, %dma_start3A_151] : memref<2x80xi32, #tpu.memory_space<vmem>> -> memref<1x80xi32, #tpu.memory_space<vmem>>
          %dma_start3A_153 = tpu.memref_squeeze %dma_start3A_152 : memref<1x80xi32, #tpu.memory_space<vmem>> -> memref<80xi32, #tpu.memory_space<vmem>>
          %dma_start3A_154 = arith.constant 0 : i32
          %dma_start3A_155 = arith.constant 0 : i32
          %dma_start3A_156 = tpu.memref_slice %arg12[%dma_start3A_154, %dma_start3A_155] : memref<10112x128xf32, #tpu.memory_space<vmem_shared>> -> memref<10112x128xf32, #tpu.memory_space<vmem_shared>>
          tpu.enqueue_indirect_dma source(%arg10 : memref<80x128xf32, #tpu.memory_space<vmem>>) target(%dma_start3A_156 : memref<10112x128xf32, #tpu.memory_space<vmem_shared>>) offsets(%dma_start3A_153 : memref<80xi32, #tpu.memory_space<vmem>>) semaphore(%run_scoped3A_150 : memref<!tpu.dma_semaphore, #tpu.memory_space<semaphore_mem>>) {add = true}
          %dma_wait3A_157 = arith.constant 0 : i32
          %dma_wait3A_158 = tpu.memref_slice %arg8[%run_scoped3A_129, %dma_wait3A_157] : memref<2x80xi32, #tpu.memory_space<vmem>> -> memref<1x80xi32, #tpu.memory_space<vmem>>
          %dma_wait3A_159 = tpu.memref_squeeze %dma_wait3A_158 : memref<1x80xi32, #tpu.memory_space<vmem>> -> memref<80xi32, #tpu.memory_space<vmem>>
          %dma_wait3A_160 = arith.constant 0 : i32
          %dma_wait3A_161 = arith.constant 0 : i32
          %dma_wait3A_162 = tpu.memref_slice %arg12[%dma_wait3A_160, %dma_wait3A_161] : memref<10112x128xf32, #tpu.memory_space<vmem_shared>> -> memref<10112x128xf32, #tpu.memory_space<vmem_shared>>
          tpu.wait_indirect_dma semaphore(%run_scoped3A_150 : memref<!tpu.dma_semaphore, #tpu.memory_space<semaphore_mem>>) src(%arg10 : memref<80x128xf32, #tpu.memory_space<vmem>>) dst(%dma_wait3A_162 : memref<10112x128xf32, #tpu.memory_space<vmem_shared>>)
          tpu.yield
        }) : () -> ()
        %get3A_130 = arith.constant 1 : i32
        %get3A_131 = arith.index_cast %get3A_130 : i32 to index
        %get3A_132 = arith.constant 0 : index
        %get3A_133 = tpu.vector_load %arg8[%get3A_131, %get3A_132] {strides = array<i32>} : memref<2x80xi32, #tpu.memory_space<vmem>>, vector<16xi32>,
        tpu.vector_store_idx %arg11[%get3A_133], %broadcast_in_dim3A_2 {add = true} : memref<10112xf32, #tpu.memory_space<vmem>>[vector<16xi32>], vector<16xf32>,
        %get3A_134 = arith.constant 1 : i32
        %get3A_135 = arith.index_cast %get3A_134 : i32 to index
        %get3A_136 = arith.constant 16 : index
        %get3A_137 = tpu.vector_load %arg8[%get3A_135, %get3A_136] {strides = array<i32>} : memref<2x80xi32, #tpu.memory_space<vmem>>, vector<16xi32>,
        tpu.vector_store_idx %arg11[%get3A_137], %broadcast_in_dim3A_2 {add = true} : memref<10112xf32, #tpu.memory_space<vmem>>[vector<16xi32>], vector<16xf32>,
        %get3A_138 = arith.constant 1 : i32
        %get3A_139 = arith.index_cast %get3A_138 : i32 to index
        %get3A_140 = arith.constant 32 : index
        %get3A_141 = tpu.vector_load %arg8[%get3A_139, %get3A_140] {strides = array<i32>} : memref<2x80xi32, #tpu.memory_space<vmem>>, vector<16xi32>,
        tpu.vector_store_idx %arg11[%get3A_141], %broadcast_in_dim3A_2 {add = true} : memref<10112xf32, #tpu.memory_space<vmem>>[vector<16xi32>], vector<16xf32>,
        %get3A_142 = arith.constant 1 : i32
        %get3A_143 = arith.index_cast %get3A_142 : i32 to index
        %get3A_144 = arith.constant 48 : index
        %get3A_145 = tpu.vector_load %arg8[%get3A_143, %get3A_144] {strides = array<i32>} : memref<2x80xi32, #tpu.memory_space<vmem>>, vector<16xi32>,
        tpu.vector_store_idx %arg11[%get3A_145], %broadcast_in_dim3A_2 {add = true} : memref<10112xf32, #tpu.memory_space<vmem>>[vector<16xi32>], vector<16xf32>,
        %get3A_146 = arith.constant 1 : i32
        %get3A_147 = arith.index_cast %get3A_146 : i32 to index
        %get3A_148 = arith.constant 64 : index
        %get3A_149 = tpu.vector_load %arg8[%get3A_147, %get3A_148] {strides = array<i32>} : memref<2x80xi32, #tpu.memory_space<vmem>>, vector<16xi32>,
        tpu.vector_store_idx %arg11[%get3A_149], %broadcast_in_dim3A_2 {add = true} : memref<10112xf32, #tpu.memory_space<vmem>>[vector<16xi32>], vector<16xf32>,
      }
      %scan3A_68 = arith.constant 62 : i32
    } else {
    }
    %barrier3A_48 = arith.constant 0 : index
    tpu.barrier barrier_id(%barrier3A_48)
    %mul3A_49 = arith.constant 632 : i32
    %mul3A_50 = arith.muli %arg1, %mul3A_49 : i32
    %mul3A_51 = arith.constant 632 : i32
    %mul3A_52 = arith.muli %arg1, %mul3A_51 : i32
    "tpu.region"() ({
      %run_scoped3A = tpu.sem_alloc : memref<!tpu.dma_semaphore, #tpu.memory_space<semaphore_mem>>
      %dma_start3A = arith.constant 0 : i32
      %dma_start3A_53 = tpu.memref_slice %arg5[%arg0, %mul3A_52, %dma_start3A] : memref<2x10112x128xf32, #tpu.memory_space<hbm>> -> memref<1x632x128xf32, #tpu.memory_space<hbm>>
      %dma_start3A_54 = tpu.memref_squeeze %dma_start3A_53 : memref<1x632x128xf32, #tpu.memory_space<hbm>> -> memref<632x128xf32, #tpu.memory_space<hbm>>
      %dma_start3A_55 = arith.constant 0 : i32
      %dma_start3A_56 = tpu.memref_slice %arg12[%mul3A_50, %dma_start3A_55] : memref<10112x128xf32, #tpu.memory_space<vmem_shared>> -> memref<632x128xf32, #tpu.memory_space<vmem_shared>>
      tpu.enqueue_dma source(%dma_start3A_56 : memref<632x128xf32, #tpu.memory_space<vmem_shared>>) target(%dma_start3A_54 : memref<632x128xf32, #tpu.memory_space<hbm>>) target_semaphore(%run_scoped3A : memref<!tpu.dma_semaphore, #tpu.memory_space<semaphore_mem>>)
      %dma_wait3A = arith.constant 0 : i32
      %dma_wait3A_57 = tpu.memref_slice %arg5[%arg0, %mul3A_52, %dma_wait3A] : memref<2x10112x128xf32, #tpu.memory_space<hbm>> -> memref<1x632x128xf32, #tpu.memory_space<hbm>>
      %dma_wait3A_58 = tpu.memref_squeeze %dma_wait3A_57 : memref<1x632x128xf32, #tpu.memory_space<hbm>> -> memref<632x128xf32, #tpu.memory_space<hbm>>
      %dma_wait3A_59 = arith.constant 0 : i32
      %dma_wait3A_60 = tpu.memref_slice %arg12[%mul3A_50, %dma_wait3A_59] : memref<10112x128xf32, #tpu.memory_space<vmem_shared>> -> memref<632x128xf32, #tpu.memory_space<vmem_shared>>
      tpu.wait_dma2 semaphore(%run_scoped3A : memref<!tpu.dma_semaphore, #tpu.memory_space<semaphore_mem>>) src(%dma_wait3A_60 : memref<632x128xf32, #tpu.memory_space<vmem_shared>>) dst(%dma_wait3A_58 : memref<632x128xf32, #tpu.memory_space<hbm>>)
      tpu.yield
    }) : () -> ()
    "tpu.region"() ({
      %run_scoped3A = tpu.sem_alloc : memref<!tpu.dma_semaphore, #tpu.memory_space<semaphore_mem>>
      %dma_start3A = arith.constant 0 : i32
      %dma_start3A_53 = tpu.memref_slice %arg6[%arg0, %arg1, %dma_start3A] : memref<2x16x10112xf32, #tpu.memory_space<hbm>> -> memref<1x1x10112xf32, #tpu.memory_space<hbm>>
      %dma_start3A_54 = tpu.memref_squeeze %dma_start3A_53 : memref<1x1x10112xf32, #tpu.memory_space<hbm>> -> memref<10112xf32, #tpu.memory_space<hbm>>
      %dma_start3A_55 = arith.constant 0 : i32
      %dma_start3A_56 = tpu.memref_slice %arg6[%arg0, %arg1, %dma_start3A_55] : memref<2x16x10112xf32, #tpu.memory_space<hbm>> -> memref<1x1x10112xf32, #tpu.memory_space<hbm>>
      %dma_start3A_57 = tpu.memref_squeeze %dma_start3A_56 : memref<1x1x10112xf32, #tpu.memory_space<hbm>> -> memref<10112xf32, #tpu.memory_space<hbm>>
      tpu.enqueue_dma source(%arg11 : memref<10112xf32, #tpu.memory_space<vmem>>) target(%dma_start3A_57 : memref<10112xf32, #tpu.memory_space<hbm>>) target_semaphore(%run_scoped3A : memref<!tpu.dma_semaphore, #tpu.memory_space<semaphore_mem>>)
      %dma_wait3A = arith.constant 0 : i32
      %dma_wait3A_58 = tpu.memref_slice %arg6[%arg0, %arg1, %dma_wait3A] : memref<2x16x10112xf32, #tpu.memory_space<hbm>> -> memref<1x1x10112xf32, #tpu.memory_space<hbm>>
      %dma_wait3A_59 = tpu.memref_squeeze %dma_wait3A_58 : memref<1x1x10112xf32, #tpu.memory_space<hbm>> -> memref<10112xf32, #tpu.memory_space<hbm>>
      %dma_wait3A_60 = arith.constant 0 : i32
      %dma_wait3A_61 = tpu.memref_slice %arg6[%arg0, %arg1, %dma_wait3A_60] : memref<2x16x10112xf32, #tpu.memory_space<hbm>> -> memref<1x1x10112xf32, #tpu.memory_space<hbm>>
      %dma_wait3A_62 = tpu.memref_squeeze %dma_wait3A_61 : memref<1x1x10112xf32, #tpu.memory_space<hbm>> -> memref<10112xf32, #tpu.memory_space<hbm>>
      tpu.wait_dma2 semaphore(%run_scoped3A : memref<!tpu.dma_semaphore, #tpu.memory_space<semaphore_mem>>) src(%arg11 : memref<10112xf32, #tpu.memory_space<vmem>>) dst(%dma_wait3A_62 : memref<10112xf32, #tpu.memory_space<hbm>>)
      tpu.yield
    }) : () -> ()
    return
  }
}

module attributes {stable_mosaic.version = 14 : i64} {
  func.func @_tc1_body(%arg0: i32, %arg1: memref<400x64xf32, #tpu.memory_space<vmem>>, %arg2: memref<400x128xf32, #tpu.memory_space<vmem>>, %arg3: memref<64x128x128xf32, #tpu.memory_space<vmem>>, %arg4: memref<64x128xf32, #tpu.memory_space<vmem>>, %arg5: memref<64x128xf32, #tpu.memory_space<vmem>>) attributes {dimension_semantics = [#tpu.dimension_semantics<arbitrary>], iteration_bounds = array<i64: 25>, scalar_prefetch = 0 : i64, scratch_operands = 1 : i64, tpu.core_type = #tpu.core_type<tc>, window_params = [{transform_indices = @transform_0, window_bounds = array<i64: 400, 64>}, {transform_indices = @transform_1, window_bounds = array<i64: 400, 128>}, {pipeline_mode = #tpu.pipeline_mode<synchronous>, transform_indices = @transform_2, window_bounds = array<i64: 64, 128, 128>}, {pipeline_mode = #tpu.pipeline_mode<synchronous>, transform_indices = @transform_3, window_bounds = array<i64: 64, 128>}]} {
    %eq3A = arith.constant 0 : i32
    %eq3A_0 = arith.cmpi eq, %arg0, %eq3A : i32
    %convert_element_type3A = arith.extui %eq3A_0 : i1 to i32
    %cond3A = arith.constant 0 : i32
    %cond3A_1 = arith.cmpi ne, %convert_element_type3A, %cond3A : i32
    scf.if %cond3A_1 {
      %broadcast_in_dim3A = arith.constant 0.000000e+00 : f32
      %broadcast_in_dim3A_18 = vector.broadcast %broadcast_in_dim3A : f32 to vector<64x128xf32>
      %swap3A_19 = arith.constant 0 : index
      %swap3A_20 = arith.constant 0 : index
      %swap3A_21 = vector.load %arg5[%swap3A_19, %swap3A_20] : memref<64x128xf32, #tpu.memory_space<vmem>>, vector<64x128xf32>
      tpu.vector_store %arg5[%swap3A_19, %swap3A_20], %broadcast_in_dim3A_18 {strides = array<i32>} : memref<64x128xf32, #tpu.memory_space<vmem>>, vector<64x128xf32>,
    } else {
    }
    %get3A = arith.constant 0 : index
    %get3A_2 = arith.constant 0 : index
    %get3A_3 = vector.load %arg5[%get3A, %get3A_2] : memref<64x128xf32, #tpu.memory_space<vmem>>, vector<64x128xf32>
    %get3A_4 = arith.constant 0 : index
    %get3A_5 = arith.constant 0 : index
    %get3A_6 = vector.load %arg1[%get3A_4, %get3A_5] : memref<400x64xf32, #tpu.memory_space<vmem>>, vector<400x64xf32>
    %get3A_7 = arith.constant 0 : index
    %get3A_8 = arith.constant 0 : index
    %get3A_9 = vector.load %arg2[%get3A_7, %get3A_8] : memref<400x128xf32, #tpu.memory_space<vmem>>, vector<400x128xf32>
    %dot_general3A = arith.constant dense<0.000000e+00> : vector<64x128xf32>
    %dot_general3A_10 = tpu.matmul %get3A_6, %get3A_9, %dot_general3A {dimension_numbers = #tpu.dot_dimension_numbers<[0], [0], [1], [1], [0, 1, 1, 1], [], []>, transpose_lhs_hint = false} : vector<400x64xf32>, vector<400x128xf32>, vector<64x128xf32> -> vector<64x128xf32>
    %add3A = arith.addf %get3A_3, %dot_general3A_10 : vector<64x128xf32>
    %swap3A = arith.constant 0 : index
    %swap3A_11 = arith.constant 0 : index
    %swap3A_12 = vector.load %arg5[%swap3A, %swap3A_11] : memref<64x128xf32, #tpu.memory_space<vmem>>, vector<64x128xf32>
    tpu.vector_store %arg5[%swap3A, %swap3A_11], %add3A {strides = array<i32>} : memref<64x128xf32, #tpu.memory_space<vmem>>, vector<64x128xf32>,
    %eq3A_13 = arith.constant 24 : i32
    %eq3A_14 = arith.cmpi eq, %arg0, %eq3A_13 : i32
    %convert_element_type3A_15 = arith.extui %eq3A_14 : i1 to i32
    %cond3A_16 = arith.constant 0 : i32
    %cond3A_17 = arith.cmpi ne, %convert_element_type3A_15, %cond3A_16 : i32
    scf.if %cond3A_17 {
      %get3A_18 = arith.constant 0 : index
      %get3A_19 = arith.constant 0 : index
      %get3A_20 = vector.load %arg5[%get3A_18, %get3A_19] : memref<64x128xf32, #tpu.memory_space<vmem>>, vector<64x128xf32>
      %broadcast_in_dim3A = vector.shape_cast %get3A_20 : vector<64x128xf32> to vector<64x128x1xf32>
      %get3A_21 = arith.constant 0 : index
      %get3A_22 = arith.constant 0 : index
      %get3A_23 = arith.constant 0 : index
      %get3A_24 = vector.load %arg3[%get3A_21, %get3A_22, %get3A_23] : memref<64x128x128xf32, #tpu.memory_space<vmem>>, vector<64x128x128xf32>
      %mul3A = vector.broadcast %broadcast_in_dim3A : vector<64x128x1xf32> to vector<64x128x128xf32>
      %mul3A_25 = arith.mulf %mul3A, %get3A_24 : vector<64x128x128xf32>
      %reduce_sum3A = arith.constant dense<0.000000e+00> : vector<64x128xf32>
      %reduce_sum3A_26 = vector.multi_reduction <add>, %mul3A_25, %reduce_sum3A [1] : vector<64x128x128xf32> to vector<64x128xf32>
      %swap3A_27 = arith.constant 0 : index
      %swap3A_28 = arith.constant 0 : index
      %swap3A_29 = vector.load %arg4[%swap3A_27, %swap3A_28] : memref<64x128xf32, #tpu.memory_space<vmem>>, vector<64x128xf32>
      tpu.vector_store %arg4[%swap3A_27, %swap3A_28], %reduce_sum3A_26 {strides = array<i32>} : memref<64x128xf32, #tpu.memory_space<vmem>>, vector<64x128xf32>,
    } else {
    }
    return
  }
  func.func @transform_0(%arg0: i32) -> (i32, i32) {
    %c0_i32 = arith.constant 0 : i32
    %c0_i32_0 = arith.constant 0 : i32
    return %arg0, %c0_i32 : i32, i32
  }
  func.func @transform_1(%arg0: i32) -> (i32, i32) {
    %c0_i32 = arith.constant 0 : i32
    %c0_i32_0 = arith.constant 0 : i32
    return %arg0, %c0_i32 : i32, i32
  }
  func.func @transform_2(%arg0: i32) -> (i32, i32, i32) {
    %c0_i32 = arith.constant 0 : i32
    %c0_i32_0 = arith.constant 0 : i32
    %c0_i32_1 = arith.constant 0 : i32
    %c0_i32_2 = arith.constant 0 : i32
    return %c0_i32, %c0_i32_0, %c0_i32_1 : i32, i32, i32
  }
  func.func @transform_3(%arg0: i32) -> (i32, i32) {
    %c0_i32 = arith.constant 0 : i32
    %c0_i32_0 = arith.constant 0 : i32
    %c0_i32_1 = arith.constant 0 : i32
    return %c0_i32, %c0_i32_0 : i32, i32
  }
}

module attributes {stable_mosaic.version = 14 : i64} {
  func.func @_tc2_body(%arg0: i32, %arg1: memref<400x128xf32, #tpu.memory_space<vmem>>, %arg2: memref<400x64xf32, #tpu.memory_space<vmem>>, %arg3: memref<64x128xf32, #tpu.memory_space<vmem>>, %arg4: memref<2x400x128xf32, #tpu.memory_space<vmem>>, %arg5: memref<400x32xf32, #tpu.memory_space<vmem>>, %arg6: memref<128x128xf32, #tpu.memory_space<vmem>>, %arg7: memref<1x128xf32, #tpu.memory_space<vmem>>, %arg8: memref<1x128xf32, #tpu.memory_space<vmem>>, %arg9: memref<1x128xf32, #tpu.memory_space<vmem>>, %arg10: memref<400x128xf32, #tpu.memory_space<vmem>>) attributes {dimension_semantics = [#tpu.dimension_semantics<arbitrary>], iteration_bounds = array<i64: 25>, scalar_prefetch = 0 : i64, scratch_operands = 0 : i64, tpu.core_type = #tpu.core_type<tc>, window_params = [{transform_indices = @transform_0, window_bounds = array<i64: 400, 128>}, {transform_indices = @transform_1, window_bounds = array<i64: 400, 64>}, {pipeline_mode = #tpu.pipeline_mode<synchronous>, transform_indices = @transform_2, window_bounds = array<i64: 64, 128>}, {transform_indices = @transform_3, window_bounds = array<i64: 2, 400, 128>}, {transform_indices = @transform_4, window_bounds = array<i64: 400, 32>}, {pipeline_mode = #tpu.pipeline_mode<synchronous>, transform_indices = @transform_5, window_bounds = array<i64: 128, 128>}, {pipeline_mode = #tpu.pipeline_mode<synchronous>, transform_indices = @transform_6, window_bounds = array<i64: 1, 128>}, {pipeline_mode = #tpu.pipeline_mode<synchronous>, transform_indices = @transform_7, window_bounds = array<i64: 1, 128>}, {pipeline_mode = #tpu.pipeline_mode<synchronous>, transform_indices = @transform_8, window_bounds = array<i64: 1, 128>}, {transform_indices = @transform_9, window_bounds = array<i64: 400, 128>}]} {
    %get3A = arith.constant 0 : index
    %get3A_0 = arith.constant 0 : index
    %get3A_1 = arith.constant 0 : index
    %get3A_2 = vector.load %arg4[%get3A, %get3A_0, %get3A_1] : memref<2x400x128xf32, #tpu.memory_space<vmem>>, vector<1x400x128xf32>
    %get3A_3 = vector.shape_cast %get3A_2 : vector<1x400x128xf32> to vector<400x128xf32>
    %get3A_4 = arith.constant 1 : index
    %get3A_5 = arith.constant 0 : index
    %get3A_6 = arith.constant 0 : index
    %get3A_7 = vector.load %arg4[%get3A_4, %get3A_5, %get3A_6] : memref<2x400x128xf32, #tpu.memory_space<vmem>>, vector<1x400x128xf32>
    %get3A_8 = vector.shape_cast %get3A_7 : vector<1x400x128xf32> to vector<400x128xf32>
    %add3A = arith.addf %get3A_3, %get3A_8 : vector<400x128xf32>
    %get3A_9 = arith.constant 0 : index
    %get3A_10 = arith.constant 0 : index
    %get3A_11 = vector.load %arg5[%get3A_9, %get3A_10] : memref<400x32xf32, #tpu.memory_space<vmem>>, vector<400x32xf32>
    %reduce_sum3A = arith.constant dense<0.000000e+00> : vector<400xf32>
    %reduce_sum3A_12 = vector.multi_reduction <add>, %get3A_11, %reduce_sum3A [1] : vector<400x32xf32> to vector<400xf32>
    %max3A = arith.constant 1.000000e+00 : f32
    %max3A_13 = vector.broadcast %max3A : f32 to vector<400xf32>
    %max3A_14 = arith.maximumf %reduce_sum3A_12, %max3A_13 : vector<400xf32>
    %div3A = arith.constant 1.000000e+00 : f32
    %div3A_15 = vector.broadcast %div3A : f32 to vector<400xf32>
    %div3A_16 = arith.divf %div3A_15, %max3A_14 : vector<400xf32>
    %broadcast_in_dim3A = vector.shape_cast %div3A_16 : vector<400xf32> to vector<400x1xf32>
    %mul3A = vector.broadcast %broadcast_in_dim3A : vector<400x1xf32> to vector<400x128xf32>
    %mul3A_17 = arith.mulf %add3A, %mul3A : vector<400x128xf32>
    %get3A_18 = arith.constant 0 : index
    %get3A_19 = arith.constant 0 : index
    %get3A_20 = vector.load %arg6[%get3A_18, %get3A_19] : memref<128x128xf32, #tpu.memory_space<vmem>>, vector<128x128xf32>
    %dot_general3A = arith.constant dense<0.000000e+00> : vector<400x128xf32>
    %dot_general3A_21 = tpu.matmul %mul3A_17, %get3A_20, %dot_general3A {dimension_numbers = #tpu.dot_dimension_numbers<[1], [1], [0], [0], [0, 0, 1, 0], [], []>, transpose_lhs_hint = false} : vector<400x128xf32>, vector<128x128xf32>, vector<400x128xf32> -> vector<400x128xf32>
    %get3A_22 = arith.constant 0 : index
    %get3A_23 = arith.constant 0 : index
    %get3A_24 = vector.load %arg7[%get3A_22, %get3A_23] : memref<1x128xf32, #tpu.memory_space<vmem>>, vector<1x128xf32>
    %add3A_25 = vector.broadcast %get3A_24 : vector<1x128xf32> to vector<400x128xf32>
    %add3A_26 = arith.addf %dot_general3A_21, %add3A_25 : vector<400x128xf32>
    %get3A_27 = arith.constant 0 : index
    %get3A_28 = arith.constant 0 : index
    %get3A_29 = vector.load %arg2[%get3A_27, %get3A_28] : memref<400x64xf32, #tpu.memory_space<vmem>>, vector<400x64xf32>
    %get3A_30 = arith.constant 0 : index
    %get3A_31 = arith.constant 0 : index
    %get3A_32 = vector.load %arg3[%get3A_30, %get3A_31] : memref<64x128xf32, #tpu.memory_space<vmem>>, vector<64x128xf32>
    %dot_general3A_33 = arith.constant dense<0.000000e+00> : vector<400x128xf32>
    %dot_general3A_34 = tpu.matmul %get3A_29, %get3A_32, %dot_general3A_33 {dimension_numbers = #tpu.dot_dimension_numbers<[1], [0], [0], [1], [0, 0, 1, 1], [], []>, transpose_lhs_hint = false} : vector<400x64xf32>, vector<64x128xf32>, vector<400x128xf32> -> vector<400x128xf32>
    %get3A_35 = arith.constant 0 : index
    %get3A_36 = arith.constant 0 : index
    %get3A_37 = vector.load %arg1[%get3A_35, %get3A_36] : memref<400x128xf32, #tpu.memory_space<vmem>>, vector<400x128xf32>
    %add3A_38 = arith.addf %get3A_37, %dot_general3A_34 : vector<400x128xf32>
    %add3A_39 = arith.addf %add3A_38, %add3A_26 : vector<400x128xf32>
    %reduce_sum3A_40 = arith.constant dense<0.000000e+00> : vector<400xf32>
    %reduce_sum3A_41 = vector.multi_reduction <add>, %add3A_39, %reduce_sum3A_40 [1] : vector<400x128xf32> to vector<400xf32>
    %broadcast_in_dim3A_42 = vector.shape_cast %reduce_sum3A_41 : vector<400xf32> to vector<400x1xf32>
    %div3A_43 = arith.constant 1.280000e+02 : f32
    %div3A_44 = vector.broadcast %div3A_43 : f32 to vector<400x1xf32>
    %div3A_45 = arith.divf %broadcast_in_dim3A_42, %div3A_44 : vector<400x1xf32>
    %sub3A = vector.broadcast %div3A_45 : vector<400x1xf32> to vector<400x128xf32>
    %sub3A_46 = arith.subf %add3A_39, %sub3A : vector<400x128xf32>
    %mul3A_47 = arith.mulf %sub3A_46, %sub3A_46 : vector<400x128xf32>
    %reduce_sum3A_48 = arith.constant dense<0.000000e+00> : vector<400xf32>
    %reduce_sum3A_49 = vector.multi_reduction <add>, %mul3A_47, %reduce_sum3A_48 [1] : vector<400x128xf32> to vector<400xf32>
    %broadcast_in_dim3A_50 = vector.shape_cast %reduce_sum3A_49 : vector<400xf32> to vector<400x1xf32>
    %div3A_51 = arith.constant 1.280000e+02 : f32
    %div3A_52 = vector.broadcast %div3A_51 : f32 to vector<400x1xf32>
    %div3A_53 = arith.divf %broadcast_in_dim3A_50, %div3A_52 : vector<400x1xf32>
    %add3A_54 = arith.constant 9.99999974E-6 : f32
    %add3A_55 = vector.broadcast %add3A_54 : f32 to vector<400x1xf32>
    %add3A_56 = arith.addf %div3A_53, %add3A_55 : vector<400x1xf32>
    %rsqrt3A = math.rsqrt %add3A_56 : vector<400x1xf32>
    %mul3A_57 = vector.broadcast %rsqrt3A : vector<400x1xf32> to vector<400x128xf32>
    %mul3A_58 = arith.mulf %sub3A_46, %mul3A_57 : vector<400x128xf32>
    %get3A_59 = arith.constant 0 : index
    %get3A_60 = arith.constant 0 : index
    %get3A_61 = vector.load %arg8[%get3A_59, %get3A_60] : memref<1x128xf32, #tpu.memory_space<vmem>>, vector<1x128xf32>
    %mul3A_62 = vector.broadcast %get3A_61 : vector<1x128xf32> to vector<400x128xf32>
    %mul3A_63 = arith.mulf %mul3A_58, %mul3A_62 : vector<400x128xf32>
    %get3A_64 = arith.constant 0 : index
    %get3A_65 = arith.constant 0 : index
    %get3A_66 = vector.load %arg9[%get3A_64, %get3A_65] : memref<1x128xf32, #tpu.memory_space<vmem>>, vector<1x128xf32>
    %add3A_67 = vector.broadcast %get3A_66 : vector<1x128xf32> to vector<400x128xf32>
    %add3A_68 = arith.addf %mul3A_63, %add3A_67 : vector<400x128xf32>
    %mul3A_69 = arith.constant 5.000000e-01 : f32
    %mul3A_70 = vector.broadcast %mul3A_69 : f32 to vector<400x128xf32>
    %mul3A_71 = arith.mulf %mul3A_70, %add3A_68 : vector<400x128xf32>
    %mul3A_72 = arith.constant 0.707106769 : f32
    %mul3A_73 = vector.broadcast %mul3A_72 : f32 to vector<400x128xf32>
    %mul3A_74 = arith.mulf %add3A_68, %mul3A_73 : vector<400x128xf32>
    %erf3A = math.erf %mul3A_74 : vector<400x128xf32>
    %add3A_75 = arith.constant 1.000000e+00 : f32
    %add3A_76 = vector.broadcast %add3A_75 : f32 to vector<400x128xf32>
    %add3A_77 = arith.addf %add3A_76, %erf3A : vector<400x128xf32>
    %mul3A_78 = arith.mulf %mul3A_71, %add3A_77 : vector<400x128xf32>
    %swap3A = arith.constant 0 : index
    %swap3A_79 = arith.constant 0 : index
    %swap3A_80 = vector.load %arg10[%swap3A, %swap3A_79] : memref<400x128xf32, #tpu.memory_space<vmem>>, vector<400x128xf32>
    tpu.vector_store %arg10[%swap3A, %swap3A_79], %mul3A_78 {strides = array<i32>} : memref<400x128xf32, #tpu.memory_space<vmem>>, vector<400x128xf32>,
    return
  }
  func.func @transform_0(%arg0: i32) -> (i32, i32) {
    %c0_i32 = arith.constant 0 : i32
    %c0_i32_0 = arith.constant 0 : i32
    return %arg0, %c0_i32 : i32, i32
  }
  func.func @transform_1(%arg0: i32) -> (i32, i32) {
    %c0_i32 = arith.constant 0 : i32
    %c0_i32_0 = arith.constant 0 : i32
    return %arg0, %c0_i32 : i32, i32
  }
  func.func @transform_2(%arg0: i32) -> (i32, i32) {
    %c0_i32 = arith.constant 0 : i32
    %c0_i32_0 = arith.constant 0 : i32
    %c0_i32_1 = arith.constant 0 : i32
    return %c0_i32, %c0_i32_0 : i32, i32
  }
  func.func @transform_3(%arg0: i32) -> (i32, i32, i32) {
    %c0_i32 = arith.constant 0 : i32
    %c0_i32_0 = arith.constant 0 : i32
    %c0_i32_1 = arith.constant 0 : i32
    return %c0_i32, %arg0, %c0_i32_0 : i32, i32, i32
  }
  func.func @transform_4(%arg0: i32) -> (i32, i32) {
    %c0_i32 = arith.constant 0 : i32
    %c0_i32_0 = arith.constant 0 : i32
    return %arg0, %c0_i32 : i32, i32
  }
  func.func @transform_5(%arg0: i32) -> (i32, i32) {
    %c0_i32 = arith.constant 0 : i32
    %c0_i32_0 = arith.constant 0 : i32
    %c0_i32_1 = arith.constant 0 : i32
    return %c0_i32, %c0_i32_0 : i32, i32
  }
  func.func @transform_6(%arg0: i32) -> (i32, i32) {
    %c0_i32 = arith.constant 0 : i32
    %c0_i32_0 = arith.constant 0 : i32
    %c0_i32_1 = arith.constant 0 : i32
    return %c0_i32, %c0_i32_0 : i32, i32
  }
  func.func @transform_7(%arg0: i32) -> (i32, i32) {
    %c0_i32 = arith.constant 0 : i32
    %c0_i32_0 = arith.constant 0 : i32
    %c0_i32_1 = arith.constant 0 : i32
    return %c0_i32, %c0_i32_0 : i32, i32
  }
  func.func @transform_8(%arg0: i32) -> (i32, i32) {
    %c0_i32 = arith.constant 0 : i32
    %c0_i32_0 = arith.constant 0 : i32
    %c0_i32_1 = arith.constant 0 : i32
    return %c0_i32, %c0_i32_0 : i32, i32
  }
  func.func @transform_9(%arg0: i32) -> (i32, i32) {
    %c0_i32 = arith.constant 0 : i32
    %c0_i32_0 = arith.constant 0 : i32
    return %arg0, %c0_i32 : i32, i32
  }
}

</mosaic_0001>

<sc_bundles>
// kernel: kernel.5.cloned.1.call-start
scs
__scs_entry_jumppad:
0x0: {  	(pc) =	sbr.rel $0x88, $3  }
0x1: {  	(tag) =	ssettag $0x0;
	lr =	simm.s32 $0x1  }
0x2: {  	[smem:$0x3F99] =	sst lr;
	_ =	strace $0xD0000000  }
0x3: {  	_ = 	snop  }
0x4: {  	_ = 	snop  }
0x5: {  	_ = 	snop  }
0x6: {  	_ = 	snop  }
0x7: {  	_ = 	snop  }
__scs_overlays_trampoline_lowered:
0x8: {  	[smem:$0x3FA8] =	sst s0  }
0x9: {  	[smem:$0x3FA9] =	sst s1  }
0xa: {  	[smem:$0x3FAA] =	sst s2  }
0xb: {  	[smem:$0x3FAB] =	sst s3  }
0xc: {  	[smem:$0x3FAC] =	sst s4  }
0xd: {  	[smem:$0x3FAD] =	sst s5  }
0xe: {  	[smem:$0x3FAE] =	sst s6  }
0xf: {  	[smem:$0x3FAF] =	sst s7  }
0x10: {  	[smem:$0x3FB0] =	sst s8  }
0x11: {  	[smem:$0x3FB1] =	sst s9;
	s0 =	simm.s32 @!p0 $0x0  }
0x12: {  	s1 =	sld [smem:$0x3F97];
	s0 =	simm.s32 @p0 $0x1  }
0x13: {  	[smem:$0x3FB2] =	sst s0;
	s0 =	simm.s32 @!p1 $0x0  }
0x14: {  	s2 =	sld [smem:$0x3F96];
	s0 =	simm.s32 @p1 $0x1  }
0x15: {  	[smem:$0x3FB3] =	sst s0;
	s0 =	simm.s32 @!p2 $0x0  }
0x16: {  	s3 =	sld [smem:$0x3FDB];
	s0 =	simm.s32 @p2 $0x1  }
0x17: {  	s4 =	simm.s32 $0x1BF5;
	[smem:$0x3FB5] =	sst s0  }
0x18: {  	s0 =	sld [smem:$0x3F98];
	_ =	swait.ge [sflag:s4], $0x0  }
0x19: {  	s7 =	sld [smem:$0x3F99]  }
0x1a: {  	s8 =	sadd.s32 $0xFFFFE003, lr  }
0x1b: {  	s9 =	sadd.s32 $0xFFFFFEF7, lr;
	s5 =	simm.s32 $0xFFFFFFFF;
	p2 =	slt.u32 s8, $0xFFFFF086  }
0x1c: {  	p1 =	slt.u32 s9, $0xF7A;
	s5 =	simm.s32 @!p2 $0x0  }
0x1d: {  	s5 =	simm.s32 @p1 $0x1;
	p0 =	seq.s32 s7, s2  }
0x1e: {  	s7 =	smul.u32 @!p0 $0xF7A, s2;
	p2 =	seq.s32 @!p0 s5, $0x0  }
0x1f: {  	s9 =	smul.u32 $0xF7A, s1;
	s8 =	simm.s32 @!p0 $0x1BF5;
	p2 =	por !p2, p0  }
0x20: {  	[sflag:s8] =	ssyncset.s32 @!p0 $0xFFFFF086;
	s6 =	sadd.s32 @!p0 s3, s7;
	s7 =	simm.s32 @!p0 $0x108  }
0x21: {  	s3 =	sadd.s32 s3, s9;
	s6 =	sadd.s32 @!p0 $0x88, s6;
	s7 =	simm.s32 @p2 $0x1082  }
0x22: {  	[simem:s7], [sflag:s8] =	dma.local @!p0 [hbm:s6], $0xF7A  }
0x23: {  	s9 =	sor.u32 $0xD0000000, s2;
	s6 =	simm.s32 $0x108;
	_ =	swait.ge @!p0 [sflag:s8], $0x0  }
0x24: {  	s3 =	sadd.s32 $0x88, s3;
	s6 =	simm.s32 @!p1 $0x1082;
	[sflag:s4] =	ssyncset.s32 $0xFFFFF086  }
0x25: {  	[simem:s6], [sflag:s4] =	dma.local [hbm:s3], $0xF7A  }
0x26: {  	[smem:$0x3F99] =	sst s1;
	(tag) =	ssettag s2;
	_ =	strace s9  }
0x27: {  	s1 =	sld [smem:$0x3FA9]  }
0x28: {  	s2 =	sld [smem:$0x3FAA]  }
0x29: {  	s4 =	sld [smem:$0x3FAC]  }
0x2a: {  	p0 =	seq.s32 s5, $0x0;
	s5 =	sld [smem:$0x3FAD]  }
0x2b: {  	s6 =	sld [smem:$0x3FAE]  }
0x2c: {  	s7 =	sld [smem:$0x3FAF]  }
0x2d: {  	s3 =	simm.s32 $0x108;
	s8 =	sld [smem:$0x3FB0]  }
0x2e: {  	s3 =	simm.s32 @!p0 $0x1082;
	s9 =	sld [smem:$0x3FB1]  }
0x2f: {  	lr =	sadd.s32 s0, s3;
	s0 =	sld [smem:$0x3FA8]  }
0x30: {  	s3 =	sld [smem:$0x3FAB]  }
0x31: {  	[smem:$0x3FB4] =	sst s10  }
0x32: {  	s10 =	sld [smem:$0x3FB2];
	_ =	sdelay $0x3  }
0x33: {  	p0 =	seq.s32 s10, $0x1;
	s10 =	sld [smem:$0x3FB4];
	_ =	sdelay $0x3  }
0x34: {  	[smem:$0x3FB4] =	sst s10  }
0x35: {  	s10 =	sld [smem:$0x3FB3];
	_ =	sdelay $0x3  }
0x36: {  	p1 =	seq.s32 s10, $0x1;
	s10 =	sld [smem:$0x3FB4];
	_ =	sdelay $0x3  }
0x37: {  	[smem:$0x3FB4] =	sst s10  }
0x38: {  	s10 =	sld [smem:$0x3FB5]  }
0x39: {  	_ = 	snop;
	(pc) =	sbr.ind lr, $3  }
0x3a: {  	_ = 	snop  }
0x3b: {  	_ = 	snop  }
0x3c: {  	p2 =	seq.s32 s10, $0x1;
	s10 =	sld [smem:$0x3FB4]  }
0x3d: {  	_ =	shalt  }
0x3e: {  	_ =	shalt  }
0x3f: {  	_ =	shalt  }
0x40: {  	_ =	shalt  }
0x41: {  	_ =	shalt  }
0x42: {  	_ =	shalt  }
0x43: {  	_ =	shalt  }
0x44: {  	_ =	shalt  }
0x45: {  	_ =	shalt  }
0x46: {  	_ =	shalt  }
0x47: {  	_ =	shalt  }
0x48: {  	_ =	shalt  }
0x49: {  	_ =	shalt  }
0x4a: {  	_ =	shalt  }
0x4b: {  	_ =	shalt  }
0x4c: {  	_ =	shalt  }
0x4d: {  	_ =	shalt  }
0x4e: {  	_ =	shalt  }
0x4f: {  	_ =	shalt  }
0x50: {  	_ =	shalt  }
0x51: {  	_ =	shalt  }
0x52: {  	_ =	shalt  }
0x53: {  	_ =	shalt  }
0x54: {  	_ =	shalt  }
0x55: {  	_ =	shalt  }
0x56: {  	_ =	shalt  }
0x57: {  	_ =	shalt  }
0x58: {  	_ =	shalt  }
0x59: {  	_ =	shalt  }
0x5a: {  	_ =	shalt  }
0x5b: {  	_ =	shalt  }
0x5c: {  	_ =	shalt  }
0x5d: {  	_ =	shalt  }
0x5e: {  	_ =	shalt  }
0x5f: {  	_ =	shalt  }
0x60: {  	_ =	shalt  }
0x61: {  	_ =	shalt  }
0x62: {  	_ =	shalt  }
0x63: {  	_ =	shalt  }
0x64: {  	_ =	shalt  }
0x65: {  	_ =	shalt  }
0x66: {  	_ =	shalt  }
0x67: {  	_ =	shalt  }
0x68: {  	_ =	shalt  }
0x69: {  	_ =	shalt  }
0x6a: {  	_ =	shalt  }
0x6b: {  	_ =	shalt  }
0x6c: {  	_ =	shalt  }
0x6d: {  	_ =	shalt  }
0x6e: {  	_ =	shalt  }
0x6f: {  	_ =	shalt  }
0x70: {  	_ =	shalt  }
0x71: {  	_ =	shalt  }
0x72: {  	_ =	shalt  }
0x73: {  	_ =	shalt  }
0x74: {  	_ =	shalt  }
0x75: {  	_ =	shalt  }
0x76: {  	_ =	shalt  }
0x77: {  	_ =	shalt  }
0x78: {  	_ =	shalt  }
0x79: {  	_ =	shalt  }
0x7a: {  	_ =	shalt  }
0x7b: {  	_ =	shalt  }
0x7c: {  	_ =	shalt  }
0x7d: {  	_ =	shalt  }
0x7e: {  	_ =	shalt  }
0x7f: {  	_ =	shalt  }
0x80: {  	_ =	shalt  }
0x81: {  	_ =	shalt  }
0x82: {  	_ =	shalt  }
0x83: {  	_ =	shalt  }
0x84: {  	_ =	shalt  }
0x85: {  	_ =	shalt  }
0x86: {  	_ =	shalt  }
0x87: {  	_ =	shalt  }
.Lfunc_end0:
.L_simem_size_0:
called_computation_lowered:
.L_overlay_start_0:
0x88: {  	s2 =	sld [smem:$0x3FD9]  }
0x89: {  	s3 =	sld [smem:$0x3FFE];
	_ =	sdelay $0x1  }
0x8a: {  	s1 =	srdreg.scid  }
0x8b: {  	s0 =	sand.u32 $0x1, s1  }
0x8c: {  	s17 =	sshll.u32 s0, $0xA;
	s2 =	sadd.s32 s3, s2  }
0x8d: {  	s2 =	sadd.s32 s2, s17  }
0x8e: {  	[smem:$0x3FC0] =	sst s2  }
0x8f: {  	_ = 	snop  }
0x90: {  	s2 =	sld [smem:$0x3FC9]  }
0x91: {  	s18 =	sld [smem:$0x3FD0];
	(tm) =	ssettm $0x1  }
0x92: {  	s4 =	sld [smem:$0x3FFB];
	_ =	sdelay $0x3  }
0x93: {  	_ =	strace s4  }
0x94: {  	s4 =	sld [smem:$0x3FFC];
	_ =	sdelay $0x3  }
0x95: {  	_ =	strace s4  }
0x96: {  	s4 =	sld [smem:$0x3FFD];
	_ =	sdelay $0x3  }
0x97: {  	_ =	strace s4  }
0x98: {  	_ =	strace $0x8FFFFFFF  }
0x99: {  	s19 =	sld [smem:$0x3FDB];
	_ =	sdelay $0x1  }
0x9a: {  	s5 =	simm.s32 $_scs_section_size  }
0x9b: {  	s6 =	simm.s32 $_size__tile_overlayer_lowered;
	s7 =	simm.s32 $_tile_overlayer_lowered  }
0x9c: {  	s22 =	simm.s32 $0x1BFF;
	s21 =	sshll.u32 s7, $0x1;
	s4 =	sadd.s32 s5, s19  }
0x9d: {  	s8 =	simm.s32 $0x0;
	s20 =	sshll.u32 s6, $0x1;
	s6 =	sadd.s32 s21, s4  }
0x9e: {  	[timem:s8], [sflag:s22] =	dma.local [hbm:s6], s20  }
0x9f: {  	_ =	swait.ge [sflag:s22], s20  }
0xa0: {  	s5 =	ssub.s32 $0x0, s20;
	[sflag:s22] =	ssyncset.done $0x0  }
0xa1: {  	[sflag:s22] =	ssyncadd.s32 s5;
	_ =	sdelay $0x1  }
0xa2: {  	s23 =	simm.s32 $0x1B8B  }
0xa3: {  	_ =	swait.ge [sflag:s23], $0x1  }
0xa4: {  	[sflag:s23] =	ssyncset.done $0x0  }
0xa5: {  	s25 =	simm.s32 $0x1B8E;
	s24 =	sld [smem:$0x3FFE];
	[sflag:s23] =	ssyncadd.s32 $0xFFFFFFFF  }
0xa6: {  	s26 =	simm.s32 $execute0_lowered;
	[smem:$0x3FD2] =	sst s25  }
0xa7: {  	s6 =	sshll.u32 s26, $0x1;
	_ =	strace $0x80000046;
	[dreg:$0x1] =	wrdreg $0xFFFFFFFF  }
0xa8: {  	s28 =	simm.s32 $_size_execute0_lowered;
	s4 =	sadd.s32 s4, s6;
	[dreg:$0x0] =	wrdreg $0x0  }
0xa9: {  	s6 =	sshll.u32 s28, $0x1;
	[dreg:$0x2] =	wrdreg s4  }
0xaa: {  	[dreg:$0x3] =	wrdreg s6  }
0xab: {  	[dreg:$0x4] =	wrdreg $0xC0  }
0xac: {  	_ =	task [dreg:s8], $0x5FFFF  }
0xad: {  	[dreg:$0x1] =	wrdreg $0xFFFFFFFF  }
0xae: {  	[dreg:$0x0] =	wrdreg $0x60  }
0xaf: {  	[dreg:$0x2] =	wrdreg s2  }
0xb0: {  	[dreg:$0x3] =	wrdreg s24  }
0xb1: {  	[dreg:$0x4] =	wrdreg s18  }
0xb2: {  	[dreg:$0x5] =	wrdreg $0x79800  }
0xb3: {  	[dreg:$0x6] =	wrdreg $0x9  }
0xb4: {  	_ =	task.clear_ibuf [dreg:s8], $0x7FFFF;
	_ =	strace $0x90000046  }
0xb5: {  	s29 =	simm.s32 $0x9;
	_ =	strace $0x80000048  }
0xb6: {  	_ =	swait.ge [sflag:s29], $0x1  }
0xb7: {  	[sflag:s29] =	ssyncadd.s32 $0xFFFFFFFF  }
0xb8: {  	_ =	strace $0x90000048  }
0xb9: {  	_ =	sfence  }
0xba: {  	s30 =	sld [smem:$0x0];
	_ =	sdelay $0x2  }
0xbb: {  	s31 =	sshll.u32 s1, $0xD;
	s1 =	sshrl.u32 s1, $0x2  }
0xbc: {  	s3 =	sand.u32 $0x4000, s31;
	s1 =	sadd.s32 s1, s30  }
0xbd: {  	s0 =	sor.u32 s3, s0;
	s1 =	sshll.u32 s1, $0x11  }
0xbe: {  	s0 =	sor.u32 s1, s0  }
0xbf: {  	s0 =	sadd.s32 $0x8F2B, s0  }
0xc0: {  	[sflag:s0] =	ssyncadd.remote.s32 $0x1  }
0xc1: {  	_ =	sfence.sel $0xFFFF  }
0xc2: {  	[dreg:$0x0] =	wrdreg $0xFFFFFFFF;
	(pc) =	sbr.abs _section_cstart, $3  }
0xc3: {  	[dreg:$0x1] =	wrdreg $0xFFFFFFFF  }
0xc4: {  	_ =	task.clear_ibuf [dreg:s8], $0x2FFFF;
	_ =	strace $0x9FFFFFFF  }
0xc5: {  	(tm) =	ssettm $0x7FFFFFFF  }
tec
execute0_lowered:
.L_overlay_start_1:
0x0: {  	(tag) =	ssettag $0x1  }
0x1: {  	s0 =	rddreg [dreg:$0x0]  }
0x2: {  	s1 =	rddreg [dreg:$0x1]  }
0x3: {  	s2 =	rddreg [dreg:$0x2]  }
0x4: {  	s4 =	srdreg.scid;
	s22 =	stileid.u32  }
0x5: {  	s3 =	rddreg [dreg:$0x3];
	s6 =	smul.u32 $0x13C00, s22  }
0x6: {  	s28 =	simm.s32 $0x50;
	s29 =	simm.s32 $0x80;
	s7 =	smul.u32 $0x4F000, s22  }
0x7: {  	s30 =	simm.s32 $0x180;
	s31 =	simm.s32 $0x2A00;
	s11 =	smul.u32 $0x26C0, s22  }
0x8: {  	s13 =	sand.u32 $0x1, s4;
	s4 =	simm.s32 $0x0;
	s17 =	smul.u32 $0x2760, s22  }
0x9: {  	s14 =	sadd.s32 $0xB200, s1;
	s15 =	sadd.s32 $0x1400, s1;
	s5 =	smul.u32 $0x13C000, s13  }
0xa: {  	s19 =	sshrl.u32 s22, $0x3;
	s21 =	sshll.u32 s22, $0x7;
	s18 =	smul.u32 $0x27800, s13  }
0xb: {  	[smem:$0x7FF] =	sst s4;
	s23 =	ssub.s32 $0x2, s13;
	s19 =	smul.u32 $0x13C00, s19  }
0xc: {  	p0 =	sne.s32 s13, $0x0;
	s13 =	simm.s32 $0x5200;
	_ =	strace $0x80000047  }
0xd: {  	s7 =	sshrl.u32 s7, $0x2;
	s9 =	sshrl.u32 s23, $0x1;
	s12 =	sshrl.u32 s11, $0x3  }
0xe: {  	s17 =	sshrl.u32 s17, $0x3;
	s5 =	sadd.s32 s6, s5;
	s16 =	ssub.s32 s23, s9  }
0xf: {  	s20 =	sadd.s32 $0x4EC0, s12;
	s18 =	sadd.s32 s18, s19;
	s23 =	sadd.s32 s14, s17  }
0x10: {  	s8 =	sshrl.u32 s5, $0x3;
	s5 =	sadd.s32 s7, s3;
	s7 =	sadd.s32 s14, s20  }
0x11: {  	[dreg:$0xa] =	wrdreg s23;
	s19 =	smax.u32 s16, $0x1;
	s16 =	simm.s32 $0x0  }
0x12: {  	s1 =	sadd.s32 s8, s1;
	s24 =	sadd.s32 $0x2800, s5;
	s25 =	sadd.s32 $0x5000, s5  }
0x13: {  	s26 =	sadd.s32 $0x7800, s5;
	s9 =	sadd.s32 $0xA000, s5;
	[dreg:$0x8] =	wrdreg s7  }
0x14: {  	s10 =	sadd.s32 $0xC800, s5;
	s11 =	sadd.s32 $0xF000, s5;
	[dreg:$0x5] =	wrdreg s24  }
0x15: {  	s12 =	sadd.s32 $0x11800, s5;
	s8 =	sand.u32 $0x380, s21;
	[dreg:$0x6] =	wrdreg s25  }
0x16: {  	s21 =	sadd.s32 s15, s20;
	[dreg:$0x7] =	wrdreg s26;
	s25 =	smul.u32 $0x4D8, s22  }
0x17: {  	[dreg:$0x9] =	wrdreg s21;
	s18 =	sor.u32 s8, s18;
	s26 =	smul.u32 $0x4EC, s22  }
.Ltmp0:
0x18: {  	s24 =	sadd.s32 s15, s17;
	s17 =	sadd.s32 $0x15000, s1;
	(pc) =	sbr.rel .LBB2_1-.Ltmp0, $4  }
0x19: {  	s1 =	simm.s32 $0x1;
	[dreg:$0xb] =	wrdreg s24;
	s18 =	sshrl.u32 s18, $0x3  }
0x1a: {  	s24 =	simm.s32 $0x200;
	s18 =	sadd.s32 s2, s18;
	s20 =	sadd.s32 s25, s15  }
0x1b: {  	s21 =	sadd.s32 s25, s14;
	s22 =	sadd.s32 s26, s15;
	s23 =	sadd.s32 s26, s14  }
0x1c: {  	v0 =	vimm.f32 $0.0e+00;
	v1 =	vimm.f32 $1.000000000e+00;
	s25 =	simm.s32 $0x3;
	s26 =	simm.s32 $0x100;
	s14 =	simm.s32 $0x2  }
.LBB2_10:
0x1d: {  	s2 =	stileid.u32  }
0x1e: {  	s2 =	sshll.u32 s2, $0x6  }
0x1f: {  	[bflag:$0x0] =	sbarrier.arrive $0xFFFF;
	s6 =	sshrl.u32 s5, $0x3;
	s2 =	sor.u32 $0x1C03, s2  }
0x20: {  	[hbm:s17], [sflag:s2] =	dma.local [spmem:s6], $0x2780  }
0x21: {  	s16 =	sadd.s32 $0x1, s16;
	_ =	swait.ge [sflag:s25], $0x2780  }
0x22: {  	p1 =	sne.s32 s16, s19;
	[sflag:s25] =	ssyncset.done $0x0  }
.Ltmp1:
0x23: {  	s15 =	simm.s32 $0x400;
	[sflag:s25] =	ssyncadd.s32 $0xFFFFD880;
	(pc) =	sbr.rel @!p1 .LBB2_11-.Ltmp1, $4  }
0x24: {  	[hbm4b:s18+s29] =	stream.strided.scatter [tilespmem:s13], [sflag:$0x3], $0x2780, s15, s29, $0x38;
	[tilespmem:$0x1B580] =	vst v63  }
0x25: {  	_ =	swait.ge [sflag:s25], $0x2780  }
0x26: {  	[sflag:s25] =	ssyncset.done $0x0  }
0x27: {  	[sflag:s25] =	ssyncadd.s32 $0xFFFFD880  }
.LBB2_1:
0x28: {  	s2 =	simm.s32 $0x0  }
.LBB2_2:
0x29: {  	p1 =	sne.s32 s2, $0x9DC0  }
.Ltmp2:
0x2a: {  	_ = 	snop;
	(pc) =	sbr.rel @p1 .LBB2_2-.Ltmp2, $3  }
0x2b: {  	_ =	sdelay $0x1  }
0x2c: {  	s15 =	sshra.s32 s2, $0x2  }
0x2d: {  	s2 =	sadd.s32 $0x40, s2;
	[tilespmem:s15+$0x5200] =	vst v0  }
0x2e: {  	s15 =	simm.s32 $0x0;
	s2 =	simm.s32 $0x200  }
.LBB2_4:
0x2f: {  	p1 =	sne.s32 s2, $0x9E00;
	[tilespmem:s15+$0x270] =	vst v0  }
0x30: {  	[tilespmem:s15+$0x200] =	vst v0  }
0x31: {  	[tilespmem:s15+$0x210] =	vst v0  }
.Ltmp3:
0x32: {  	[tilespmem:s15+$0x220] =	vst v0;
	(pc) =	sbr.rel @p1 .LBB2_4-.Ltmp3, $4  }
0x33: {  	[tilespmem:s15+$0x230] =	vst v0  }
0x34: {  	[tilespmem:s15+$0x240] =	vst v0  }
0x35: {  	[tilespmem:s15+$0x250] =	vst v0  }
0x36: {  	[tilespmem:s15+$0x260] =	vst v0;
	s15 =	sshra.s32 s2, $0x2;
	s2 =	sadd.s32 $0x200, s2  }
0x37: {  	[tilespmem:s15+$0x270] =	vst v0  }
0x38: {  	[tilespmem:s15+$0x200] =	vst v0  }
0x39: {  	[tilespmem:s15+$0x210] =	vst v0  }
0x3a: {  	[tilespmem:s15+$0x220] =	vst v0  }
0x3b: {  	[tilespmem:s15+$0x230] =	vst v0  }
0x3c: {  	[tilespmem:s15+$0x240] =	vst v0  }
0x3d: {  	[tilespmem:s15+$0x250] =	vst v0  }
0x3e: {  	[tilespmem:s15+$0x260] =	vst v0  }
0x3f: {  	[spmem:s5] =	stream.linear.scatter [tilespmem:s24], [sflag:$0x3], $0x2800, $0x38;
	[tilespmem:$0x1B580] =	vst v63  }
0x40: {  	_ =	swait.ge [sflag:s25], $0x2800  }
0x41: {  	[sflag:s25] =	ssyncset.done $0x0  }
0x42: {  	s2 =	rddreg [dreg:$0x5];
	[sflag:s25] =	ssyncadd.s32 $0xFFFFD800  }
0x43: {  	[spmem:s2] =	stream.linear.scatter [tilespmem:s24], [sflag:$0x3], $0x2800, $0x38;
	[tilespmem:$0x1B580] =	vst v63  }
0x44: {  	_ =	swait.ge [sflag:s25], $0x2800  }
0x45: {  	[sflag:s25] =	ssyncset.done $0x0  }
0x46: {  	s8 =	rddreg [dreg:$0x6];
	[sflag:s25] =	ssyncadd.s32 $0xFFFFD800  }
0x47: {  	[spmem:s8] =	stream.linear.scatter [tilespmem:s24], [sflag:$0x3], $0x2800, $0x38;
	[tilespmem:$0x1B580] =	vst v63  }
0x48: {  	_ =	swait.ge [sflag:s25], $0x2800  }
0x49: {  	[sflag:s25] =	ssyncset.done $0x0  }
0x4a: {  	s15 =	rddreg [dreg:$0x7];
	[sflag:s25] =	ssyncadd.s32 $0xFFFFD800  }
0x4b: {  	[spmem:s15] =	stream.linear.scatter [tilespmem:s24], [sflag:$0x3], $0x2800, $0x38;
	[tilespmem:$0x1B580] =	vst v63  }
0x4c: {  	_ =	swait.ge [sflag:s25], $0x2800  }
0x4d: {  	[sflag:s25] =	ssyncset.done $0x0  }
0x4e: {  	[sflag:s25] =	ssyncadd.s32 $0xFFFFD800  }
0x4f: {  	[spmem:s9] =	stream.linear.scatter [tilespmem:s24], [sflag:$0x3], $0x2800, $0x38;
	[tilespmem:$0x1B580] =	vst v63  }
0x50: {  	_ =	swait.ge [sflag:s25], $0x2800  }
0x51: {  	[sflag:s25] =	ssyncset.done $0x0  }
0x52: {  	[sflag:s25] =	ssyncadd.s32 $0xFFFFD800  }
0x53: {  	[spmem:s10] =	stream.linear.scatter [tilespmem:s24], [sflag:$0x3], $0x2800, $0x38;
	[tilespmem:$0x1B580] =	vst v63  }
0x54: {  	_ =	swait.ge [sflag:s25], $0x2800  }
0x55: {  	[sflag:s25] =	ssyncset.done $0x0  }
0x56: {  	[sflag:s25] =	ssyncadd.s32 $0xFFFFD800  }
0x57: {  	[spmem:s11] =	stream.linear.scatter [tilespmem:s24], [sflag:$0x3], $0x2800, $0x38;
	[tilespmem:$0x1B580] =	vst v63  }
0x58: {  	_ =	swait.ge [sflag:s25], $0x2800  }
0x59: {  	[sflag:s25] =	ssyncset.done $0x0  }
0x5a: {  	[sflag:s25] =	ssyncadd.s32 $0xFFFFD800  }
0x5b: {  	[spmem:s12] =	stream.linear.scatter [tilespmem:s24], [sflag:$0x3], $0x2400, $0x38;
	[tilespmem:$0x1B580] =	vst v63  }
.Ltmp4:
0x5c: {  	_ =	swait.ge [sflag:s25], $0x2400;
	(pc) =	sbr.rel @p0 .LBB2_8-.Ltmp4, $4  }
0x5d: {  	[sflag:s25] =	ssyncset.done $0x0  }
0x5e: {  	[sflag:s25] =	ssyncadd.s32 $0xFFFFDC00  }
0x5f: {  	[bflag:$0x0] =	sbarrier.arrive $0xFFFF  }
0x60: {  	s15 =	simm.s32 $0x0  }
0x61: {  	s2 =	rddreg [dreg:$0xa]  }
0x62: {  	[tilespmem:s15], [sflag:$0x3] =	stream.linear.gather [hbm4b:s2+s15], $0x50, $0x38;
	[tilespmem:$0x1B580] =	vst v63  }
0x63: {  	_ =	swait.ge [sflag:s25], $0x50  }
0x64: {  	[sflag:s25] =	ssyncset.done $0x0  }
0x65: {  	s8 =	rddreg [dreg:$0xb];
	[sflag:s25] =	ssyncadd.s32 $0xFFFFFFB0  }
0x66: {  	[tilespmem:s26], [sflag:$0x3] =	stream.linear.gather [hbm4b:s8+s15], $0x50, $0x38;
	[tilespmem:$0x1B580] =	vst v63  }
0x67: {  	_ =	swait.ge [sflag:s25], $0x50  }
0x68: {  	[sflag:s25] =	ssyncset.done $0x0  }
0x69: {  	[sflag:s25] =	ssyncadd.s32 $0xFFFFFFB0  }
0x6a: {  	[tilespmem:s24], [sflag:$0x1] =	stream.indirect.gather [hbm4b:s0+s28], $0x80, s15, s28, $0xb8;
	[tilespmem:$0x1B580] =	vst v63  }
.LBB2_7:
0x6b: {  	s2 =	sadd.s32 s15, s23  }
0x6c: {  	s2 =	sadd.s32 $0xA, s2  }
0x6d: {  	[tilespmem:s29], [sflag:$0x3] =	stream.linear.gather [hbm4b:s2+s4], $0x50, $0x38;
	[tilespmem:$0x1B580] =	vst v63  }
0x6e: {  	_ =	swait.ge [sflag:s25], $0x50  }
0x6f: {  	s8 =	sadd.s32 s15, s22;
	[sflag:s25] =	ssyncset.done $0x0  }
0x70: {  	s2 =	sadd.s32 $0xA, s8;
	[sflag:s25] =	ssyncadd.s32 $0xFFFFFFB0  }
0x71: {  	[tilespmem:s30], [sflag:$0x3] =	stream.linear.gather [hbm4b:s2+s4], $0x50, $0x38;
	[tilespmem:$0x1B580] =	vst v63  }
0x72: {  	_ =	swait.ge [sflag:s25], $0x50  }
0x73: {  	[sflag:s25] =	ssyncset.done $0x0  }
0x74: {  	[sflag:s25] =	ssyncadd.s32 $0xFFFFFFB0  }
0x75: {  	[tilespmem:s31], [sflag:$0x2] =	stream.indirect.gather [hbm4b:s0+s28], $0x80, s29, s28, $0xb8;
	[tilespmem:$0x1B580] =	vst v63  }
0x76: {  	_ =	swait.ge [sflag:s1], $0x2800  }
0x77: {  	[sflag:s1] =	ssyncset.done $0x0  }
0x78: {  	[sflag:s1] =	ssyncadd.s32 $0xFFFFD800  }
0x79: {  	[spmem:s3] =	stream.indirect.scatter.add.f32 [tilespmem:s24], [sflag:$0x3], $0x80, s26, s28, $0xb8;
	[tilespmem:$0x1B580] =	vst v63  }
0x7a: {  	_ =	swait.ge [sflag:s25], $0x2800  }
0x7b: {  	[sflag:s25] =	ssyncset.done $0x0  }
0x7c: {  	[sflag:s25] =	ssyncadd.s32 $0xFFFFD800  }
0x7d: {  	v2 =	vld [tilespmem:$0x100];
	_ =	sdelay $0x7  }
0x7e: {  	[tilespmem:v2+s13+$0x0] =	vst.idx.add.f32.msk $0xffff, v1  }
0x7f: {  	v2 =	vld [tilespmem:$0x110];
	_ =	sdelay $0x7  }
0x80: {  	[tilespmem:v2+s13+$0x0] =	vst.idx.add.f32.msk $0xffff, v1  }
0x81: {  	v2 =	vld [tilespmem:$0x120];
	_ =	sdelay $0x7  }
0x82: {  	[tilespmem:v2+s13+$0x0] =	vst.idx.add.f32.msk $0xffff, v1  }
0x83: {  	v2 =	vld [tilespmem:$0x130];
	_ =	sdelay $0x7  }
0x84: {  	[tilespmem:v2+s13+$0x0] =	vst.idx.add.f32.msk $0xffff, v1  }
0x85: {  	v2 =	vld [tilespmem:$0x140];
	_ =	sdelay $0x5  }
0x86: {  	p1 =	seq.s32 s15, $0x4D8  }
0x87: {  	s2 =	sadd.s32 @!p1 s15, s23  }
0x88: {  	s6 =	simm.s32 @!p1 $0x0;
	s2 =	sadd.s32 @!p1 $0x14, s2;
	[tilespmem:v2+s13+$0x0] =	vst.idx.add.f32.msk $0xffff, v1  }
0x89: {  	[tilespmem:s6], [sflag:$0x3] =	stream.linear.gather @!p1 [hbm4b:s2+s6], $0x50, $0x38;
	[tilespmem:$0x1B580] =	vst v63  }
0x8a: {  	s2 =	simm.s32 @!p1 $0x3  }
0x8b: {  	_ =	swait.ge @!p1 [sflag:s2], $0x50  }
0x8c: {  	s7 =	sadd.s32 @!p1 s15, s22;
	[sflag:s2] =	ssyncset.done @!p1 $0x0  }
0x8d: {  	s7 =	sadd.s32 @!p1 $0x14, s7;
	s8 =	simm.s32 @!p1 $0x100;
	[sflag:s2] =	ssyncadd.s32 @!p1 $0xFFFFFFB0  }
0x8e: {  	[tilespmem:s8], [sflag:$0x3] =	stream.linear.gather @!p1 [hbm4b:s7+s6], $0x50, $0x38;
	[tilespmem:$0x1B580] =	vst v63  }
0x8f: {  	_ =	swait.ge @!p1 [sflag:s2], $0x50  }
0x90: {  	[sflag:s2] =	ssyncset.done @!p1 $0x0  }
0x91: {  	s7 =	simm.s32 @!p1 $0x200;
	[sflag:s2] =	ssyncadd.s32 @!p1 $0xFFFFFFB0;
	s2 =	simm.s32 @!p1 $0x50  }
0x92: {  	[tilespmem:s7], [sflag:$0x1] =	stream.indirect.gather @!p1 [hbm4b:s0+s2], $0x80, s6, s2, $0xb8;
	[tilespmem:$0x1B580] =	vst v63  }
0x93: {  	_ =	swait.ge [sflag:s14], $0x2800  }
0x94: {  	[sflag:s14] =	ssyncset.done $0x0  }
0x95: {  	[sflag:s14] =	ssyncadd.s32 $0xFFFFD800  }
0x96: {  	[spmem:s3] =	stream.indirect.scatter.add.f32 [tilespmem:s31], [sflag:$0x3], $0x80, s30, s28, $0xb8;
	[tilespmem:$0x1B580] =	vst v63  }
0x97: {  	_ =	swait.ge [sflag:s25], $0x2800  }
0x98: {  	[sflag:s25] =	ssyncset.done $0x0  }
0x99: {  	[sflag:s25] =	ssyncadd.s32 $0xFFFFD800  }
0x9a: {  	v2 =	vld [tilespmem:$0x180];
	_ =	sdelay $0x7  }
0x9b: {  	[tilespmem:v2+s13+$0x0] =	vst.idx.add.f32.msk $0xffff, v1  }
0x9c: {  	v2 =	vld [tilespmem:$0x190];
	_ =	sdelay $0x7  }
0x9d: {  	[tilespmem:v2+s13+$0x0] =	vst.idx.add.f32.msk $0xffff, v1  }
0x9e: {  	v2 =	vld [tilespmem:$0x1A0];
	_ =	sdelay $0x7  }
0x9f: {  	[tilespmem:v2+s13+$0x0] =	vst.idx.add.f32.msk $0xffff, v1  }
0xa0: {  	v2 =	vld [tilespmem:$0x1B0];
	_ =	sdelay $0x7  }
0xa1: {  	[tilespmem:v2+s13+$0x0] =	vst.idx.add.f32.msk $0xffff, v1  }
0xa2: {  	v2 =	vld [tilespmem:$0x1C0];
	_ =	sdelay $0x1  }
0xa3: {  	s15 =	sadd.s32 $0x14, s15  }
0xa4: {  	p1 =	seq.s32 s15, $0x4EC  }
.Ltmp5:
0xa5: {  	_ = 	snop;
	(pc) =	sbr.rel @!p1 .LBB2_7-.Ltmp5, $2  }
0xa6: {  	_ =	sdelay $0x2  }
0xa7: {  	[tilespmem:v2+s13+$0x0] =	vst.idx.add.f32.msk $0xffff, v1  }
.Ltmp6:
0xa8: {  	_ = 	snop;
	(pc) =	sbr.rel .LBB2_10-.Ltmp6, $1  }
0xa9: {  	_ =	sdelay $0x3  }
.LBB2_8:
0xaa: {  	s2 =	rddreg [dreg:$0x8]  }
0xab: {  	[tilespmem:s15], [sflag:$0x3] =	stream.linear.gather [hbm4b:s2+s15], $0x50, $0x38;
	[tilespmem:$0x1B580] =	vst v63  }
0xac: {  	_ =	swait.ge [sflag:s25], $0x50  }
0xad: {  	[sflag:s25] =	ssyncset.done $0x0  }
0xae: {  	s8 =	rddreg [dreg:$0x9];
	[sflag:s25] =	ssyncadd.s32 $0xFFFFFFB0  }
0xaf: {  	[tilespmem:s26], [sflag:$0x3] =	stream.linear.gather [hbm4b:s8+s15], $0x50, $0x38;
	[tilespmem:$0x1B580] =	vst v63  }
0xb0: {  	_ =	swait.ge [sflag:s25], $0x50  }
0xb1: {  	[sflag:s25] =	ssyncset.done $0x0  }
0xb2: {  	[sflag:s25] =	ssyncadd.s32 $0xFFFFFFB0  }
0xb3: {  	[tilespmem:s24], [sflag:$0x1] =	stream.indirect.gather [hbm4b:s0+s28], $0x80, s15, s28, $0xb8;
	[tilespmem:$0x1B580] =	vst v63  }
.LBB2_9:
0xb4: {  	s2 =	sadd.s32 s15, s21  }
0xb5: {  	s2 =	sadd.s32 $0x4ECA, s2  }
0xb6: {  	[tilespmem:s29], [sflag:$0x3] =	stream.linear.gather [hbm4b:s2+s4], $0x50, $0x38;
	[tilespmem:$0x1B580] =	vst v63  }
0xb7: {  	_ =	swait.ge [sflag:s25], $0x50  }
0xb8: {  	s8 =	sadd.s32 s15, s20;
	[sflag:s25] =	ssyncset.done $0x0  }
0xb9: {  	s2 =	sadd.s32 $0x4ECA, s8;
	[sflag:s25] =	ssyncadd.s32 $0xFFFFFFB0  }
0xba: {  	[tilespmem:s30], [sflag:$0x3] =	stream.linear.gather [hbm4b:s2+s4], $0x50, $0x38;
	[tilespmem:$0x1B580] =	vst v63  }
0xbb: {  	_ =	swait.ge [sflag:s25], $0x50  }
0xbc: {  	[sflag:s25] =	ssyncset.done $0x0  }
0xbd: {  	[sflag:s25] =	ssyncadd.s32 $0xFFFFFFB0  }
0xbe: {  	[tilespmem:s31], [sflag:$0x2] =	stream.indirect.gather [hbm4b:s0+s28], $0x80, s29, s28, $0xb8;
	[tilespmem:$0x1B580] =	vst v63  }
0xbf: {  	_ =	swait.ge [sflag:s1], $0x2800  }
0xc0: {  	[sflag:s1] =	ssyncset.done $0x0  }
0xc1: {  	[sflag:s1] =	ssyncadd.s32 $0xFFFFD800  }
0xc2: {  	[spmem:s3] =	stream.indirect.scatter.add.f32 [tilespmem:s24], [sflag:$0x3], $0x80, s26, s28, $0xb8;
	[tilespmem:$0x1B580] =	vst v63  }
0xc3: {  	_ =	swait.ge [sflag:s25], $0x2800  }
0xc4: {  	[sflag:s25] =	ssyncset.done $0x0  }
0xc5: {  	[sflag:s25] =	ssyncadd.s32 $0xFFFFD800  }
0xc6: {  	v2 =	vld [tilespmem:$0x100];
	_ =	sdelay $0x7  }
0xc7: {  	[tilespmem:v2+s13+$0x0] =	vst.idx.add.f32.msk $0xffff, v1  }
0xc8: {  	v2 =	vld [tilespmem:$0x110];
	_ =	sdelay $0x7  }
0xc9: {  	[tilespmem:v2+s13+$0x0] =	vst.idx.add.f32.msk $0xffff, v1  }
0xca: {  	v2 =	vld [tilespmem:$0x120];
	_ =	sdelay $0x7  }
0xcb: {  	[tilespmem:v2+s13+$0x0] =	vst.idx.add.f32.msk $0xffff, v1  }
0xcc: {  	v2 =	vld [tilespmem:$0x130];
	_ =	sdelay $0x7  }
0xcd: {  	[tilespmem:v2+s13+$0x0] =	vst.idx.add.f32.msk $0xffff, v1  }
0xce: {  	v2 =	vld [tilespmem:$0x140];
	_ =	sdelay $0x5  }
0xcf: {  	p1 =	seq.s32 s15, $0x4C4  }
0xd0: {  	s2 =	sadd.s32 @!p1 s15, s21  }
0xd1: {  	s6 =	simm.s32 @!p1 $0x0;
	s2 =	sadd.s32 @!p1 $0x4ED4, s2;
	[tilespmem:v2+s13+$0x0] =	vst.idx.add.f32.msk $0xffff, v1  }
0xd2: {  	[tilespmem:s6], [sflag:$0x3] =	stream.linear.gather @!p1 [hbm4b:s2+s6], $0x50, $0x38;
	[tilespmem:$0x1B580] =	vst v63  }
0xd3: {  	s2 =	simm.s32 @!p1 $0x3  }
0xd4: {  	_ =	swait.ge @!p1 [sflag:s2], $0x50  }
0xd5: {  	s7 =	sadd.s32 @!p1 s15, s20;
	[sflag:s2] =	ssyncset.done @!p1 $0x0  }
0xd6: {  	s7 =	sadd.s32 @!p1 $0x4ED4, s7;
	s8 =	simm.s32 @!p1 $0x100;
	[sflag:s2] =	ssyncadd.s32 @!p1 $0xFFFFFFB0  }
0xd7: {  	[tilespmem:s8], [sflag:$0x3] =	stream.linear.gather @!p1 [hbm4b:s7+s6], $0x50, $0x38;
	[tilespmem:$0x1B580] =	vst v63  }
0xd8: {  	_ =	swait.ge @!p1 [sflag:s2], $0x50  }
0xd9: {  	[sflag:s2] =	ssyncset.done @!p1 $0x0  }
0xda: {  	s7 =	simm.s32 @!p1 $0x200;
	[sflag:s2] =	ssyncadd.s32 @!p1 $0xFFFFFFB0;
	s2 =	simm.s32 @!p1 $0x50  }
0xdb: {  	[tilespmem:s7], [sflag:$0x1] =	stream.indirect.gather @!p1 [hbm4b:s0+s2], $0x80, s6, s2, $0xb8;
	[tilespmem:$0x1B580] =	vst v63  }
0xdc: {  	_ =	swait.ge [sflag:s14], $0x2800  }
0xdd: {  	[sflag:s14] =	ssyncset.done $0x0  }
0xde: {  	[sflag:s14] =	ssyncadd.s32 $0xFFFFD800  }
0xdf: {  	[spmem:s3] =	stream.indirect.scatter.add.f32 [tilespmem:s31], [sflag:$0x3], $0x80, s30, s28, $0xb8;
	[tilespmem:$0x1B580] =	vst v63  }
0xe0: {  	_ =	swait.ge [sflag:s25], $0x2800  }
0xe1: {  	[sflag:s25] =	ssyncset.done $0x0  }
0xe2: {  	[sflag:s25] =	ssyncadd.s32 $0xFFFFD800  }
0xe3: {  	v2 =	vld [tilespmem:$0x180];
	_ =	sdelay $0x7  }
0xe4: {  	[tilespmem:v2+s13+$0x0] =	vst.idx.add.f32.msk $0xffff, v1  }
0xe5: {  	v2 =	vld [tilespmem:$0x190];
	_ =	sdelay $0x7  }
0xe6: {  	[tilespmem:v2+s13+$0x0] =	vst.idx.add.f32.msk $0xffff, v1  }
0xe7: {  	v2 =	vld [tilespmem:$0x1A0];
	_ =	sdelay $0x7  }
0xe8: {  	[tilespmem:v2+s13+$0x0] =	vst.idx.add.f32.msk $0xffff, v1  }
0xe9: {  	v2 =	vld [tilespmem:$0x1B0];
	_ =	sdelay $0x7  }
0xea: {  	[tilespmem:v2+s13+$0x0] =	vst.idx.add.f32.msk $0xffff, v1  }
0xeb: {  	v2 =	vld [tilespmem:$0x1C0];
	_ =	sdelay $0x1  }
0xec: {  	s15 =	sadd.s32 $0x14, s15  }
0xed: {  	p1 =	sne.s32 s15, $0x4D8  }
.Ltmp7:
0xee: {  	_ = 	snop;
	(pc) =	sbr.rel @p1 .LBB2_9-.Ltmp7, $2  }
0xef: {  	_ =	sdelay $0x2  }
0xf0: {  	[tilespmem:v2+s13+$0x0] =	vst.idx.add.f32.msk $0xffff, v1  }
.Ltmp8:
0xf1: {  	_ = 	snop;
	(pc) =	sbr.rel .LBB2_10-.Ltmp8, $1  }
0xf2: {  	_ =	sdelay $0x3  }
.LBB2_11:
0xf3: {  	_ =	sfence.sel $0x180000  }
0xf4: {  	[bflag:$0x0] =	sbarrier.arrive $0xFFFF  }
0xf5: {  	_ =	strace $0x90000047  }
0xf6: {  	s0 =	stileid.u32;
	[bflag:$0x2] =	sbarrier.arrive $0xFFFF  }
0xf7: {  	p0 =	sne.s32 s0, $0x0;
	s0 =	rddreg [dreg:$0x4]  }
0xf8: {  	s0 =	sadd.s32 @!p0 $0x100000, s0  }
0xf9: {  	[sflag:s0] =	ssyncadd.tile.s32 @!p0 $0x1;
	_ =	shalt  }
.Lfunc_end2:
_tile_overlayer_lowered:
.L_overlay_start_2:
0xfa: {  	(tag) =	ssettag $0x2  }
0xfb: {  	s0 =	rddreg [dreg:$0x0];
	s2 =	stileid.u32  }
0xfc: {  	s1 =	rddreg [dreg:$0x1];
	p0 =	sne.s32 s2, $0x0  }
0xfd: {  	s3 =	rddreg [dreg:$0x2];
	[bflag:$0x3] =	sbarrier.arrive $0xFFFF;
	s2 =	simm.s32 @!p0 $0x1C03  }
0xfe: {  	[timem:s3], [sflag:s2] =	dma.local @!p0 [hbm:s0], s1  }
0xff: {  	s0 =	simm.s32 @!p0 $0x3  }
0x100: {  	_ =	swait.ge @!p0 [sflag:s0], s1  }
0x101: {  	s1 =	ssub.s32 @!p0 $0x0, s1;
	[sflag:s0] =	ssyncset.done @!p0 $0x0  }
0x102: {  	[sflag:s0] =	ssyncadd.s32 @!p0 s1  }
0x103: {  	[bflag:$0x3] =	sbarrier.arrive $0xFFFF  }
0x104: {  	_ =	shalt  }

</sc_bundles>
